<compile_context>
chip_gen: v7x
topology: tpu7x:2x2x1
jax: 0.10.2.dev20260603
libtpu: 0.0.44.dev20260713+nightly
codegen_flags: <defaults>
</compile_context>

<pallas_src>
import functools

import jax
import jax.numpy as jnp
from jax import lax
from jax.experimental import pallas as pl
from jax.experimental.pallas import tpu as pltpu
from jax.experimental.pallas import tpu_sc as plsc

E = 16
K = 2
H = 2048
F = 768
T = 4096
P = T * K
TM = 256
NT = P // TM + E
NPAD = NT * TM
BT = 512
BR = 1024
NB = P // BR
LANES = 128


def _router_body(x_ref, wg_ref, logits_ref, wts_ref, eidx_ref):
    xb = x_ref[...]
    wg = wg_ref[...]
    logits = jax.lax.dot_general(
        xb, wg, (((1,), (1,)), ((), ())), preferred_element_type=jnp.float32)
    m = jnp.max(logits, axis=1, keepdims=True)
    p = jnp.exp(logits - m)
    probs = p / jnp.sum(p, axis=1, keepdims=True)
    lane = jax.lax.broadcasted_iota(jnp.int32, probs.shape, 1)
    m1 = jnp.max(probs, axis=1, keepdims=True)
    i1 = jnp.min(jnp.where(probs == m1, lane, E), axis=1, keepdims=True)
    probs2 = jnp.where(lane == i1, -1.0, probs)
    m2 = jnp.max(probs2, axis=1, keepdims=True)
    i2 = jnp.min(jnp.where(probs2 == m2, lane, E), axis=1, keepdims=True)
    s = m1 + m2
    logits_ref[...] = logits
    wts_ref[...] = jnp.concatenate([m1 / s, m2 / s], axis=1)
    eidx_ref[...] = jnp.concatenate([i1, i2], axis=1)


def _router(x, Wg):
    return pl.pallas_call(
        _router_body,
        grid=(T // BT,),
        in_specs=[
            pl.BlockSpec((BT, H), lambda i: (i, 0)),
            pl.BlockSpec((E, H), lambda i: (0, 0)),
        ],
        out_specs=[
            pl.BlockSpec((BT, E), lambda i: (i, 0)),
            pl.BlockSpec((BT, K), lambda i: (i, 0)),
            pl.BlockSpec((BT, K), lambda i: (i, 0)),
        ],
        out_shape=[
            jax.ShapeDtypeStruct((T, E), jnp.float32),
            jax.ShapeDtypeStruct((T, K), jnp.float32),
            jax.ShapeDtypeStruct((T, K), jnp.int32),
        ],
    )(x, Wg)


def _meta_body(ef_ref, pos_ref, te_ref):
    lanes_all = jax.lax.broadcasted_iota(jnp.int32, (P, LANES), 1)
    oh_all = (ef_ref[...] == lanes_all).astype(jnp.float32)
    counts = jnp.sum(oh_all, axis=0, keepdims=True)

    cnt = counts.astype(jnp.int32)
    pad = ((cnt + TM - 1) // TM) * TM
    ur = jax.lax.broadcasted_iota(jnp.int32, (LANES, LANES), 0)
    uc = jax.lax.broadcasted_iota(jnp.int32, (LANES, LANES), 1)
    upper = (ur < uc).astype(jnp.float32)
    startf = jnp.dot(pad.astype(jnp.float32), upper,
                     preferred_element_type=jnp.float32)

    jrow = jax.lax.broadcasted_iota(jnp.int32, (NT, LANES), 0) * TM
    lane2 = jax.lax.broadcasted_iota(jnp.int32, (NT, LANES), 1)
    valid = (lane2 >= 1) & (lane2 < E)
    cmp = ((jrow >= startf.astype(jnp.int32)) & valid).astype(jnp.int32)
    te = jnp.minimum(jnp.sum(cmp, axis=1, keepdims=True), E - 1)
    te_ref[...] = te

    lanes = jax.lax.broadcasted_iota(jnp.int32, (BR, LANES), 1)
    r = jax.lax.broadcasted_iota(jnp.int32, (BR, BR), 0)
    c = jax.lax.broadcasted_iota(jnp.int32, (BR, BR), 1)
    tril = (r > c).astype(jnp.float32)

    def body(b, carry):
        efb = ef_ref[pl.ds(b * BR, BR), :]
        ohb = (efb == lanes).astype(jnp.float32)
        csum = jnp.dot(tril, ohb, preferred_element_type=jnp.float32) + carry
        possel = jnp.sum((csum + startf) * ohb, axis=1, keepdims=True)
        pos_ref[pl.ds(b * BR, BR), :] = possel.astype(jnp.int32)
        return carry + jnp.sum(ohb, axis=0, keepdims=True)

    jax.lax.fori_loop(0, NB, body, jnp.zeros((1, LANES), jnp.float32))


def _metadata(ef2):
    return pl.pallas_call(
        _meta_body,
        in_specs=[pl.BlockSpec((P, 1), lambda: (0, 0))],
        out_specs=[
            pl.BlockSpec((P, 1), lambda: (0, 0)),
            pl.BlockSpec((NT, 1), lambda: (0, 0)),
        ],
        out_shape=[
            jax.ShapeDtypeStruct((P, 1), jnp.int32),
            jax.ShapeDtypeStruct((NT, 1), jnp.int32),
        ],
    )(ef2)


NC = 2
NS = 16
NW = NC * NS
PPW = P // NW
CH = 16
NCH = PPW // CH
TPW = T // NW
NCH2 = TPW // CH


def _dispatch_sc(x, pos, wflat):
    mesh = plsc.VectorSubcoreMesh(core_axis_name="c", subcore_axis_name="s")

    @functools.partial(
        pl.kernel, mesh=mesh,
        out_type=[jax.ShapeDtypeStruct((NPAD, H), jnp.float32),
                  jax.ShapeDtypeStruct((NPAD, 128), jnp.float32)],
        scratch_types=[pltpu.VMEM((CH,), jnp.int32),
                       pltpu.VMEM((CH, H), jnp.float32),
                       pltpu.VMEM((CH,), jnp.float32),
                       pltpu.VMEM((CH, 128), jnp.float32),
                       pltpu.SemaphoreType.DMA,
                       pltpu.SemaphoreType.DMA],
        compiler_params=pltpu.CompilerParams(needs_layout_passes=False),
    )
    def disp(x_hbm, pos_hbm, w_hbm, px_hbm, wrow_hbm,
             idx_v, rows_v, wv_v, wbuf_v, sem1, sem2):
        wid = lax.axis_index("s") * NC + lax.axis_index("c")
        base = wid * PPW

        def chunk(c, carry):
            off = base + c * CH
            tok = lax.rem(off, T)
            pltpu.sync_copy(pos_hbm.at[pl.ds(off, CH)], idx_v)
            pltpu.sync_copy(x_hbm.at[pl.ds(tok, CH)], rows_v)
            pltpu.sync_copy(w_hbm.at[pl.ds(off, CH)], wv_v)
            plsc.store_scatter(
                wbuf_v,
                [lax.iota(jnp.int32, 16), jnp.zeros((16,), jnp.int32)],
                wv_v[...])
            cp1 = pltpu.async_copy(rows_v, px_hbm.at[idx_v], sem1)
            cp2 = pltpu.async_copy(wbuf_v, wrow_hbm.at[idx_v], sem2)
            cp1.wait()
            cp2.wait()
            return carry

        lax.fori_loop(0, NCH, chunk, 0)

    return disp(x, pos, wflat)


def _gmm_body(te_ref, x_ref, w1_ref, w2_ref, w3_ref, wrow_ref, y_ref):
    xb = x_ref[...].astype(jnp.bfloat16)
    g = jnp.dot(xb, w2_ref[0].astype(jnp.bfloat16),
                preferred_element_type=jnp.float32)
    u = jnp.dot(xb, w1_ref[0].astype(jnp.bfloat16),
                preferred_element_type=jnp.float32)
    act = (g * jax.lax.logistic(g) * u).astype(jnp.bfloat16)
    y = jnp.dot(act, w3_ref[0].astype(jnp.bfloat16),
                preferred_element_type=jnp.float32)
    y_ref[...] = y * wrow_ref[...][:, 0:1]


def _gmm(te, px, w1, w2, w3, wrow):
    spec = pltpu.PrefetchScalarGridSpec(
        num_scalar_prefetch=1,
        grid=(NT,),
        in_specs=[
            pl.BlockSpec((TM, H), lambda i, te: (i, 0)),
            pl.BlockSpec((1, H, F), lambda i, te: (te[i], 0, 0)),
            pl.BlockSpec((1, H, F), lambda i, te: (te[i], 0, 0)),
            pl.BlockSpec((1, F, H), lambda i, te: (te[i], 0, 0)),
            pl.BlockSpec((TM, 128), lambda i, te: (i, 0)),
        ],
        out_specs=pl.BlockSpec((TM, H), lambda i, te: (i, 0)),
    )
    return pl.pallas_call(
        _gmm_body,
        grid_spec=spec,
        out_shape=jax.ShapeDtypeStruct((NPAD, H), jnp.float32),
        compiler_params=pltpu.CompilerParams(
            vmem_limit_bytes=100 * 1024 * 1024),
    )(te, px, w1, w2, w3, wrow)


def _combine_sc(y, pos):
    mesh = plsc.VectorSubcoreMesh(core_axis_name="c", subcore_axis_name="s")

    @functools.partial(
        pl.kernel, mesh=mesh,
        out_type=jax.ShapeDtypeStruct((T, H), jnp.float32),
        scratch_types=[pltpu.VMEM((CH,), jnp.int32),
                       pltpu.VMEM((CH,), jnp.int32),
                       pltpu.VMEM((CH, H), jnp.float32),
                       pltpu.VMEM((CH, H), jnp.float32),
                       pltpu.SemaphoreType.DMA,
                       pltpu.SemaphoreType.DMA],
        compiler_params=pltpu.CompilerParams(needs_layout_passes=False),
    )
    def comb(y_hbm, pos_hbm, out_hbm, idx0_v, idx1_v, buf0_v, buf1_v,
             sem0, sem1):
        wid = lax.axis_index("s") * NC + lax.axis_index("c")
        base = wid * TPW

        def chunk(c, carry):
            off = base + c * CH
            pltpu.sync_copy(pos_hbm.at[pl.ds(off, CH)], idx0_v)
            pltpu.sync_copy(pos_hbm.at[pl.ds(T + off, CH)], idx1_v)
            cp0 = pltpu.async_copy(y_hbm.at[idx0_v], buf0_v, sem0)
            cp1 = pltpu.async_copy(y_hbm.at[idx1_v], buf1_v, sem1)
            cp0.wait()
            cp1.wait()
            for j in range(CH):
                def col(q, c2):
                    a = buf0_v[j, pl.ds(q * 16, 16)]
                    b = buf1_v[j, pl.ds(q * 16, 16)]
                    buf0_v[j, pl.ds(q * 16, 16)] = a + b
                    return c2
                lax.fori_loop(0, H // 16, col, 0)
            pltpu.sync_copy(buf0_v, out_hbm.at[pl.ds(off, CH)])
            return carry

        lax.fori_loop(0, NCH2, chunk, 0)

    return comb(y, pos)


def kernel(hidden_states, Wg, w1, w2, w3):
    x = hidden_states.reshape(T, H)
    logits, wts, eidx = _router(x, Wg)
    ef = jnp.concatenate([eidx[:, 0], eidx[:, 1]])
    pos2d, te2d = _metadata(ef.reshape(P, 1))
    pos = pos2d.reshape(P)
    te = te2d.reshape(NT)
    wflat = jnp.concatenate([wts[:, 0], wts[:, 1]])
    px, wrow = _dispatch_sc(x, pos, wflat)
    y = _gmm(te, px, w1, w2, w3, wrow)
    out = _combine_sc(y, pos)
    return out, logits

# --- scband reference (transcript-rebuilt; emitter-appended) ---
"""Pipeline reference for scband-qwen3-moe-sparse-moe-block-patch-84078279786501 (READ-ONLY COPY).

The authoritative reference and input builder live on the scoring server;
editing this copy changes nothing except your own understanding.
"""

import jax, jax.numpy as jnp
import numpy as np

E = 16
TOPK = 2
H = 2048
F = 768
B = 2
S = 2048


def setup_inputs(seed: int = 0) -> dict:
    key = jax.random.key(seed)
    ks = jax.random.split(key, 5)
    hidden_states = jax.random.normal(ks[0], (B, S, H), dtype=jnp.float32)
    Wg = jax.random.normal(ks[1], (E, H), dtype=jnp.float32) * 0.02  # gate (router) nn.Linear weight [E, H]
    w1 = jax.random.normal(ks[2], (E, H, F), dtype=jnp.float32) * 0.02  # up_proj.weight.t() stacked
    w2 = jax.random.normal(ks[3], (E, H, F), dtype=jnp.float32) * 0.02  # gate_proj.weight.t() stacked
    w3 = jax.random.normal(ks[4], (E, F, H), dtype=jnp.float32) * 0.02  # down_proj.weight.t() stacked
    return {"hidden_states": hidden_states, "Wg": Wg, "w1": w1, "w2": w2, "w3": w3}


def reference(hidden_states, Wg, w1, w2, w3):
    bsz, seqlen, hdim = hidden_states.shape
    T = bsz * seqlen
    x = hidden_states.reshape(-1, hdim)
    # router
    router_logits = x @ Wg.T
    probs = jax.nn.softmax(router_logits.astype(jnp.float32), axis=1)
    routing_weights, selected_experts = jax.lax.top_k(probs, TOPK)
    # norm_topk_prob = True
    routing_weights = routing_weights / routing_weights.sum(axis=-1, keepdims=True)
    routing_weights = routing_weights.astype(x.dtype)
    # permute tokens grouped by expert (stable sort like torch.sort(..., stable=True))
    flat = selected_experts.reshape(-1)
    sorted_indices = jnp.argsort(flat, stable=True)
    token_ids = sorted_indices // TOPK
    permuted = x[token_ids]
    sorted_flat = flat[sorted_indices]
    # grouped matmul: gate/up -> swiglu -> down
    permuted_out = jnp.zeros((T * TOPK, hdim), dtype=x.dtype)
    for e in range(E):
        gate_res = permuted @ w2[e]
        up_res = permuted @ w1[e]
        act = jax.nn.silu(gate_res) * up_res  # npu_swiglu(cat([gate, up]))
        out_e = act @ w3[e]
        mask = (sorted_flat == e)[:, None]
        permuted_out = jnp.where(mask, out_e, permuted_out)
    # unpermute (index_copy_)
    unpermuted = jnp.zeros((T * TOPK, hdim), dtype=permuted_out.dtype).at[sorted_indices].set(permuted_out)
    unpermuted = unpermuted.reshape(T, TOPK, hdim) * routing_weights[..., None]
    final_hidden_states = unpermuted.sum(axis=1).astype(x.dtype)
    return (final_hidden_states, router_logits)

if __name__ == "__main__":
    import jax
    _d = setup_inputs()
    print(jax.jit(kernel)(*tuple(_d.values())))

</pallas_src>

<mosaic_0001>
#map = affine_map<(d0, d1) -> (0, 0)>
#map1 = affine_map<(d0, d1) -> (0)>
module attributes {stable_mosaic.version = 14 : i64} {
  func.func @disp(%arg0: i32, %arg1: i32, %arg2: memref<4096x2048xf32, #tpu.memory_space<hbm>>, %arg3: memref<8192xi32, #tpu.memory_space<hbm>>, %arg4: memref<8192xf32, #tpu.memory_space<hbm>>, %arg5: memref<12288x2048xf32, #tpu.memory_space<hbm>>, %arg6: memref<12288x128xf32, #tpu.memory_space<hbm>>, %arg7: memref<16xi32, #tpu.memory_space<vmem>>, %arg8: memref<16x2048xf32, #tpu.memory_space<vmem>>, %arg9: memref<16xf32, #tpu.memory_space<vmem>>, %arg10: memref<16x128xf32, #tpu.memory_space<vmem>>, %arg11: memref<!tpu.dma_semaphore, #tpu.memory_space<semaphore_mem>>, %arg12: memref<!tpu.dma_semaphore, #tpu.memory_space<semaphore_mem>>) attributes {dimension_semantics = [#tpu.dimension_semantics<core_parallel>, #tpu.dimension_semantics<subcore_parallel>], iteration_bounds = array<i64: 2, 16>, scalar_prefetch = 0 : i64, scratch_operands = 6 : i64, tpu.core_type = #tpu.core_type<sc_vector_subcore>, window_params = [{transform_indices = #map}, {transform_indices = #map1}, {transform_indices = #map1}, {transform_indices = #map}, {transform_indices = #map}]} {
    %mul3A = arith.constant 2 : i32
    %mul3A_0 = arith.muli %arg1, %mul3A : i32
    %add3A = arith.addi %mul3A_0, %arg0 : i32
    %mul3A_1 = arith.constant 256 : i32
    %mul3A_2 = arith.muli %add3A, %mul3A_1 : i32
    %scan3A = arith.constant 0 : i32
    %scan3A_3 = arith.constant 0 : i32
    %scan3A_4 = arith.constant 16 : i32
    %scan3A_5 = arith.addi %scan3A_3, %scan3A_4 : i32
    %scan3A_6 = arith.constant 1 : i32
    scf.for %scan3A_8 = %scan3A_3 to %scan3A_5 step %scan3A_6  : i32 {
      %mul3A_9 = arith.constant 16 : i32
      %mul3A_10 = arith.muli %scan3A_8, %mul3A_9 : i32
      %add3A_11 = arith.addi %mul3A_2, %mul3A_10 : i32
      %rem3A = arith.constant 4096 : i32
      %rem3A_12 = arith.remsi %add3A_11, %rem3A : i32
      "tpu.region"() ({
        %run_scoped3A = tpu.sem_alloc : memref<!tpu.dma_semaphore, #tpu.memory_space<semaphore_mem>>
        %dma_start3A_25 = tpu.memref_slice %arg3[%add3A_11] : memref<8192xi32, #tpu.memory_space<hbm>> -> memref<16xi32, #tpu.memory_space<hbm>>
        %dma_start3A_26 = tpu.memref_slice %arg3[%add3A_11] : memref<8192xi32, #tpu.memory_space<hbm>> -> memref<16xi32, #tpu.memory_space<hbm>>
        tpu.enqueue_dma source(%dma_start3A_26 : memref<16xi32, #tpu.memory_space<hbm>>) target(%arg7 : memref<16xi32, #tpu.memory_space<vmem>>) target_semaphore(%run_scoped3A : memref<!tpu.dma_semaphore, #tpu.memory_space<semaphore_mem>>)
        %dma_wait3A_27 = tpu.memref_slice %arg3[%add3A_11] : memref<8192xi32, #tpu.memory_space<hbm>> -> memref<16xi32, #tpu.memory_space<hbm>>
        %dma_wait3A_28 = tpu.memref_slice %arg3[%add3A_11] : memref<8192xi32, #tpu.memory_space<hbm>> -> memref<16xi32, #tpu.memory_space<hbm>>
        tpu.wait_dma2 semaphore(%run_scoped3A : memref<!tpu.dma_semaphore, #tpu.memory_space<semaphore_mem>>) src(%dma_wait3A_28 : memref<16xi32, #tpu.memory_space<hbm>>) dst(%arg7 : memref<16xi32, #tpu.memory_space<vmem>>)
        tpu.yield
      }) : () -> ()
      "tpu.region"() ({
        %run_scoped3A = tpu.sem_alloc : memref<!tpu.dma_semaphore, #tpu.memory_space<semaphore_mem>>
        %dma_start3A_25 = arith.constant 0 : i32
        %dma_start3A_26 = tpu.memref_slice %arg2[%rem3A_12, %dma_start3A_25] : memref<4096x2048xf32, #tpu.memory_space<hbm>> -> memref<16x2048xf32, #tpu.memory_space<hbm>>
        %dma_start3A_27 = arith.constant 0 : i32
        %dma_start3A_28 = tpu.memref_slice %arg2[%rem3A_12, %dma_start3A_27] : memref<4096x2048xf32, #tpu.memory_space<hbm>> -> memref<16x2048xf32, #tpu.memory_space<hbm>>
        tpu.enqueue_dma source(%dma_start3A_28 : memref<16x2048xf32, #tpu.memory_space<hbm>>) target(%arg8 : memref<16x2048xf32, #tpu.memory_space<vmem>>) target_semaphore(%run_scoped3A : memref<!tpu.dma_semaphore, #tpu.memory_space<semaphore_mem>>)
        %dma_wait3A_29 = arith.constant 0 : i32
        %dma_wait3A_30 = tpu.memref_slice %arg2[%rem3A_12, %dma_wait3A_29] : memref<4096x2048xf32, #tpu.memory_space<hbm>> -> memref<16x2048xf32, #tpu.memory_space<hbm>>
        %dma_wait3A_31 = arith.constant 0 : i32
        %dma_wait3A_32 = tpu.memref_slice %arg2[%rem3A_12, %dma_wait3A_31] : memref<4096x2048xf32, #tpu.memory_space<hbm>> -> memref<16x2048xf32, #tpu.memory_space<hbm>>
        tpu.wait_dma2 semaphore(%run_scoped3A : memref<!tpu.dma_semaphore, #tpu.memory_space<semaphore_mem>>) src(%dma_wait3A_32 : memref<16x2048xf32, #tpu.memory_space<hbm>>) dst(%arg8 : memref<16x2048xf32, #tpu.memory_space<vmem>>)
        tpu.yield
      }) : () -> ()
      "tpu.region"() ({
        %run_scoped3A = tpu.sem_alloc : memref<!tpu.dma_semaphore, #tpu.memory_space<semaphore_mem>>
        %dma_start3A_25 = tpu.memref_slice %arg4[%add3A_11] : memref<8192xf32, #tpu.memory_space<hbm>> -> memref<16xf32, #tpu.memory_space<hbm>>
        %dma_start3A_26 = tpu.memref_slice %arg4[%add3A_11] : memref<8192xf32, #tpu.memory_space<hbm>> -> memref<16xf32, #tpu.memory_space<hbm>>
        tpu.enqueue_dma source(%dma_start3A_26 : memref<16xf32, #tpu.memory_space<hbm>>) target(%arg9 : memref<16xf32, #tpu.memory_space<vmem>>) target_semaphore(%run_scoped3A : memref<!tpu.dma_semaphore, #tpu.memory_space<semaphore_mem>>)
        %dma_wait3A_27 = tpu.memref_slice %arg4[%add3A_11] : memref<8192xf32, #tpu.memory_space<hbm>> -> memref<16xf32, #tpu.memory_space<hbm>>
        %dma_wait3A_28 = tpu.memref_slice %arg4[%add3A_11] : memref<8192xf32, #tpu.memory_space<hbm>> -> memref<16xf32, #tpu.memory_space<hbm>>
        tpu.wait_dma2 semaphore(%run_scoped3A : memref<!tpu.dma_semaphore, #tpu.memory_space<semaphore_mem>>) src(%dma_wait3A_28 : memref<16xf32, #tpu.memory_space<hbm>>) dst(%arg9 : memref<16xf32, #tpu.memory_space<vmem>>)
        tpu.yield
      }) : () -> ()
      %iota3A = tpu.iota {dimensions = array<i32: 0>} : vector<16xi32>
      %broadcast_in_dim3A = arith.constant 0 : i32
      %broadcast_in_dim3A_13 = vector.broadcast %broadcast_in_dim3A : i32 to vector<16xi32>
      %get3A = arith.constant 0 : index
      %get3A_14 = tpu.vector_load %arg9[%get3A] {strides = array<i32>} : memref<16xf32, #tpu.memory_space<vmem>>, vector<16xf32>,
      tpu.vector_store_idx %arg10[%iota3A, %broadcast_in_dim3A_13], %get3A_14 : memref<16x128xf32, #tpu.memory_space<vmem>>[vector<16xi32>, vector<16xi32>], vector<16xf32>,
      %dma_start3A = arith.constant 0 : i32
      %dma_start3A_15 = arith.constant 0 : i32
      %dma_start3A_16 = tpu.memref_slice %arg5[%dma_start3A, %dma_start3A_15] : memref<12288x2048xf32, #tpu.memory_space<hbm>> -> memref<12288x2048xf32, #tpu.memory_space<hbm>>
      tpu.enqueue_indirect_dma source(%arg8 : memref<16x2048xf32, #tpu.memory_space<vmem>>) target(%dma_start3A_16 : memref<12288x2048xf32, #tpu.memory_space<hbm>>) offsets(%arg7 : memref<16xi32, #tpu.memory_space<vmem>>) semaphore(%arg11 : memref<!tpu.dma_semaphore, #tpu.memory_space<semaphore_mem>>)
      %dma_start3A_17 = arith.constant 0 : i32
      %dma_start3A_18 = arith.constant 0 : i32
      %dma_start3A_19 = tpu.memref_slice %arg6[%dma_start3A_17, %dma_start3A_18] : memref<12288x128xf32, #tpu.memory_space<hbm>> -> memref<12288x128xf32, #tpu.memory_space<hbm>>
      tpu.enqueue_indirect_dma source(%arg10 : memref<16x128xf32, #tpu.memory_space<vmem>>) target(%dma_start3A_19 : memref<12288x128xf32, #tpu.memory_space<hbm>>) offsets(%arg7 : memref<16xi32, #tpu.memory_space<vmem>>) semaphore(%arg12 : memref<!tpu.dma_semaphore, #tpu.memory_space<semaphore_mem>>)
      %dma_wait3A = arith.constant 0 : i32
      %dma_wait3A_20 = arith.constant 0 : i32
      %dma_wait3A_21 = tpu.memref_slice %arg5[%dma_wait3A, %dma_wait3A_20] : memref<12288x2048xf32, #tpu.memory_space<hbm>> -> memref<12288x2048xf32, #tpu.memory_space<hbm>>
      tpu.wait_indirect_dma semaphore(%arg11 : memref<!tpu.dma_semaphore, #tpu.memory_space<semaphore_mem>>) src(%arg8 : memref<16x2048xf32, #tpu.memory_space<vmem>>) dst(%dma_wait3A_21 : memref<12288x2048xf32, #tpu.memory_space<hbm>>)
      %dma_wait3A_22 = arith.constant 0 : i32
      %dma_wait3A_23 = arith.constant 0 : i32
      %dma_wait3A_24 = tpu.memref_slice %arg6[%dma_wait3A_22, %dma_wait3A_23] : memref<12288x128xf32, #tpu.memory_space<hbm>> -> memref<12288x128xf32, #tpu.memory_space<hbm>>
      tpu.wait_indirect_dma semaphore(%arg12 : memref<!tpu.dma_semaphore, #tpu.memory_space<semaphore_mem>>) src(%arg10 : memref<16x128xf32, #tpu.memory_space<vmem>>) dst(%dma_wait3A_24 : memref<12288x128xf32, #tpu.memory_space<hbm>>)
    }
    %scan3A_7 = arith.constant 16 : i32
    return
  }
}

#map = affine_map<(d0, d1) -> (0, 0)>
#map1 = affine_map<(d0, d1) -> (0)>
module attributes {stable_mosaic.version = 14 : i64} {
  func.func @comb(%arg0: i32, %arg1: i32, %arg2: memref<12288x2048xf32, #tpu.memory_space<hbm>>, %arg3: memref<8192xi32, #tpu.memory_space<hbm>>, %arg4: memref<4096x2048xf32, #tpu.memory_space<hbm>>, %arg5: memref<16xi32, #tpu.memory_space<vmem>>, %arg6: memref<16xi32, #tpu.memory_space<vmem>>, %arg7: memref<16x2048xf32, #tpu.memory_space<vmem>>, %arg8: memref<16x2048xf32, #tpu.memory_space<vmem>>, %arg9: memref<!tpu.dma_semaphore, #tpu.memory_space<semaphore_mem>>, %arg10: memref<!tpu.dma_semaphore, #tpu.memory_space<semaphore_mem>>) attributes {dimension_semantics = [#tpu.dimension_semantics<core_parallel>, #tpu.dimension_semantics<subcore_parallel>], iteration_bounds = array<i64: 2, 16>, scalar_prefetch = 0 : i64, scratch_operands = 6 : i64, tpu.core_type = #tpu.core_type<sc_vector_subcore>, window_params = [{transform_indices = #map}, {transform_indices = #map1}, {transform_indices = #map}]} {
    %mul3A = arith.constant 2 : i32
    %mul3A_0 = arith.muli %arg1, %mul3A : i32
    %add3A = arith.addi %mul3A_0, %arg0 : i32
    %mul3A_1 = arith.constant 128 : i32
    %mul3A_2 = arith.muli %add3A, %mul3A_1 : i32
    %scan3A = arith.constant 0 : i32
    %scan3A_3 = arith.constant 0 : i32
    %scan3A_4 = arith.constant 8 : i32
    %scan3A_5 = arith.addi %scan3A_3, %scan3A_4 : i32
    %scan3A_6 = arith.constant 1 : i32
    scf.for %scan3A_8 = %scan3A_3 to %scan3A_5 step %scan3A_6  : i32 {
      %mul3A_9 = arith.constant 16 : i32
      %mul3A_10 = arith.muli %scan3A_8, %mul3A_9 : i32
      %add3A_11 = arith.addi %mul3A_2, %mul3A_10 : i32
      "tpu.region"() ({
        %run_scoped3A = tpu.sem_alloc : memref<!tpu.dma_semaphore, #tpu.memory_space<semaphore_mem>>
        %dma_start3A_120 = tpu.memref_slice %arg3[%add3A_11] : memref<8192xi32, #tpu.memory_space<hbm>> -> memref<16xi32, #tpu.memory_space<hbm>>
        %dma_start3A_121 = tpu.memref_slice %arg3[%add3A_11] : memref<8192xi32, #tpu.memory_space<hbm>> -> memref<16xi32, #tpu.memory_space<hbm>>
        tpu.enqueue_dma source(%dma_start3A_121 : memref<16xi32, #tpu.memory_space<hbm>>) target(%arg5 : memref<16xi32, #tpu.memory_space<vmem>>) target_semaphore(%run_scoped3A : memref<!tpu.dma_semaphore, #tpu.memory_space<semaphore_mem>>)
        %dma_wait3A_122 = tpu.memref_slice %arg3[%add3A_11] : memref<8192xi32, #tpu.memory_space<hbm>> -> memref<16xi32, #tpu.memory_space<hbm>>
        %dma_wait3A_123 = tpu.memref_slice %arg3[%add3A_11] : memref<8192xi32, #tpu.memory_space<hbm>> -> memref<16xi32, #tpu.memory_space<hbm>>
        tpu.wait_dma2 semaphore(%run_scoped3A : memref<!tpu.dma_semaphore, #tpu.memory_space<semaphore_mem>>) src(%dma_wait3A_123 : memref<16xi32, #tpu.memory_space<hbm>>) dst(%arg5 : memref<16xi32, #tpu.memory_space<vmem>>)
        tpu.yield
      }) : () -> ()
      %add3A_12 = arith.constant 4096 : i32
      %add3A_13 = arith.addi %add3A_12, %add3A_11 : i32
      "tpu.region"() ({
        %run_scoped3A = tpu.sem_alloc : memref<!tpu.dma_semaphore, #tpu.memory_space<semaphore_mem>>
        %dma_start3A_120 = tpu.memref_slice %arg3[%add3A_13] : memref<8192xi32, #tpu.memory_space<hbm>> -> memref<16xi32, #tpu.memory_space<hbm>>
        %dma_start3A_121 = tpu.memref_slice %arg3[%add3A_13] : memref<8192xi32, #tpu.memory_space<hbm>> -> memref<16xi32, #tpu.memory_space<hbm>>
        tpu.enqueue_dma source(%dma_start3A_121 : memref<16xi32, #tpu.memory_space<hbm>>) target(%arg6 : memref<16xi32, #tpu.memory_space<vmem>>) target_semaphore(%run_scoped3A : memref<!tpu.dma_semaphore, #tpu.memory_space<semaphore_mem>>)
        %dma_wait3A_122 = tpu.memref_slice %arg3[%add3A_13] : memref<8192xi32, #tpu.memory_space<hbm>> -> memref<16xi32, #tpu.memory_space<hbm>>
        %dma_wait3A_123 = tpu.memref_slice %arg3[%add3A_13] : memref<8192xi32, #tpu.memory_space<hbm>> -> memref<16xi32, #tpu.memory_space<hbm>>
        tpu.wait_dma2 semaphore(%run_scoped3A : memref<!tpu.dma_semaphore, #tpu.memory_space<semaphore_mem>>) src(%dma_wait3A_123 : memref<16xi32, #tpu.memory_space<hbm>>) dst(%arg6 : memref<16xi32, #tpu.memory_space<vmem>>)
        tpu.yield
      }) : () -> ()
      %dma_start3A = arith.constant 0 : i32
      %dma_start3A_14 = arith.constant 0 : i32
      %dma_start3A_15 = tpu.memref_slice %arg2[%dma_start3A, %dma_start3A_14] : memref<12288x2048xf32, #tpu.memory_space<hbm>> -> memref<12288x2048xf32, #tpu.memory_space<hbm>>
      tpu.enqueue_indirect_dma source(%dma_start3A_15 : memref<12288x2048xf32, #tpu.memory_space<hbm>>) target(%arg7 : memref<16x2048xf32, #tpu.memory_space<vmem>>) offsets(%arg5 : memref<16xi32, #tpu.memory_space<vmem>>) semaphore(%arg9 : memref<!tpu.dma_semaphore, #tpu.memory_space<semaphore_mem>>)
      %dma_start3A_16 = arith.constant 0 : i32
      %dma_start3A_17 = arith.constant 0 : i32
      %dma_start3A_18 = tpu.memref_slice %arg2[%dma_start3A_16, %dma_start3A_17] : memref<12288x2048xf32, #tpu.memory_space<hbm>> -> memref<12288x2048xf32, #tpu.memory_space<hbm>>
      tpu.enqueue_indirect_dma source(%dma_start3A_18 : memref<12288x2048xf32, #tpu.memory_space<hbm>>) target(%arg8 : memref<16x2048xf32, #tpu.memory_space<vmem>>) offsets(%arg6 : memref<16xi32, #tpu.memory_space<vmem>>) semaphore(%arg10 : memref<!tpu.dma_semaphore, #tpu.memory_space<semaphore_mem>>)
      %dma_wait3A = arith.constant 0 : i32
      %dma_wait3A_19 = arith.constant 0 : i32
      %dma_wait3A_20 = tpu.memref_slice %arg2[%dma_wait3A, %dma_wait3A_19] : memref<12288x2048xf32, #tpu.memory_space<hbm>> -> memref<12288x2048xf32, #tpu.memory_space<hbm>>
      tpu.wait_indirect_dma semaphore(%arg9 : memref<!tpu.dma_semaphore, #tpu.memory_space<semaphore_mem>>) src(%dma_wait3A_20 : memref<12288x2048xf32, #tpu.memory_space<hbm>>) dst(%arg7 : memref<16x2048xf32, #tpu.memory_space<vmem>>)
      %dma_wait3A_21 = arith.constant 0 : i32
      %dma_wait3A_22 = arith.constant 0 : i32
      %dma_wait3A_23 = tpu.memref_slice %arg2[%dma_wait3A_21, %dma_wait3A_22] : memref<12288x2048xf32, #tpu.memory_space<hbm>> -> memref<12288x2048xf32, #tpu.memory_space<hbm>>
      tpu.wait_indirect_dma semaphore(%arg10 : memref<!tpu.dma_semaphore, #tpu.memory_space<semaphore_mem>>) src(%dma_wait3A_23 : memref<12288x2048xf32, #tpu.memory_space<hbm>>) dst(%arg8 : memref<16x2048xf32, #tpu.memory_space<vmem>>)
      %scan3A_24 = arith.constant 0 : i32
      %scan3A_25 = arith.constant 0 : i32
      %scan3A_26 = arith.constant 128 : i32
      %scan3A_27 = arith.addi %scan3A_25, %scan3A_26 : i32
      %scan3A_28 = arith.constant 1 : i32
      scf.for %scan3A_120 = %scan3A_25 to %scan3A_27 step %scan3A_28  : i32 {
        %mul3A_121 = arith.constant 16 : i32
        %mul3A_122 = arith.muli %scan3A_120, %mul3A_121 : i32
        %get3A = arith.constant 0 : i32
        %get3A_123 = arith.index_cast %get3A : i32 to index
        %get3A_124 = arith.index_cast %mul3A_122 : i32 to index
        %get3A_125 = tpu.vector_load %arg7[%get3A_123, %get3A_124] {strides = array<i32>} : memref<16x2048xf32, #tpu.memory_space<vmem>>, vector<16xf32>,
        %mul3A_126 = arith.constant 16 : i32
        %mul3A_127 = arith.muli %scan3A_120, %mul3A_126 : i32
        %get3A_128 = arith.constant 0 : i32
        %get3A_129 = arith.index_cast %get3A_128 : i32 to index
        %get3A_130 = arith.index_cast %mul3A_127 : i32 to index
        %get3A_131 = tpu.vector_load %arg8[%get3A_129, %get3A_130] {strides = array<i32>} : memref<16x2048xf32, #tpu.memory_space<vmem>>, vector<16xf32>,
        %add3A_132 = arith.addf %get3A_125, %get3A_131 : vector<16xf32>
        %mul3A_133 = arith.constant 16 : i32
        %mul3A_134 = arith.muli %scan3A_120, %mul3A_133 : i32
        %swap3A = arith.constant 0 : i32
        %swap3A_135 = arith.index_cast %swap3A : i32 to index
        %swap3A_136 = arith.index_cast %mul3A_134 : i32 to index
        %swap3A_137 = tpu.vector_load %arg7[%swap3A_135, %swap3A_136] {strides = array<i32>} : memref<16x2048xf32, #tpu.memory_space<vmem>>, vector<16xf32>,
        tpu.vector_store %arg7[%swap3A_135, %swap3A_136], %add3A_132 {strides = array<i32>} : memref<16x2048xf32, #tpu.memory_space<vmem>>, vector<16xf32>,
      }
      %scan3A_29 = arith.constant 128 : i32
      %scan3A_30 = arith.constant 0 : i32
      %scan3A_31 = arith.constant 0 : i32
      %scan3A_32 = arith.constant 128 : i32
      %scan3A_33 = arith.addi %scan3A_31, %scan3A_32 : i32
      %scan3A_34 = arith.constant 1 : i32
      scf.for %scan3A_120 = %scan3A_31 to %scan3A_33 step %scan3A_34  : i32 {
        %mul3A_121 = arith.constant 16 : i32
        %mul3A_122 = arith.muli %scan3A_120, %mul3A_121 : i32
        %get3A = arith.constant 1 : i32
        %get3A_123 = arith.index_cast %get3A : i32 to index
        %get3A_124 = arith.index_cast %mul3A_122 : i32 to index
        %get3A_125 = tpu.vector_load %arg7[%get3A_123, %get3A_124] {strides = array<i32>} : memref<16x2048xf32, #tpu.memory_space<vmem>>, vector<16xf32>,
        %mul3A_126 = arith.constant 16 : i32
        %mul3A_127 = arith.muli %scan3A_120, %mul3A_126 : i32
        %get3A_128 = arith.constant 1 : i32
        %get3A_129 = arith.index_cast %get3A_128 : i32 to index
        %get3A_130 = arith.index_cast %mul3A_127 : i32 to index
        %get3A_131 = tpu.vector_load %arg8[%get3A_129, %get3A_130] {strides = array<i32>} : memref<16x2048xf32, #tpu.memory_space<vmem>>, vector<16xf32>,
        %add3A_132 = arith.addf %get3A_125, %get3A_131 : vector<16xf32>
        %mul3A_133 = arith.constant 16 : i32
        %mul3A_134 = arith.muli %scan3A_120, %mul3A_133 : i32
        %swap3A = arith.constant 1 : i32
        %swap3A_135 = arith.index_cast %swap3A : i32 to index
        %swap3A_136 = arith.index_cast %mul3A_134 : i32 to index
        %swap3A_137 = tpu.vector_load %arg7[%swap3A_135, %swap3A_136] {strides = array<i32>} : memref<16x2048xf32, #tpu.memory_space<vmem>>, vector<16xf32>,
        tpu.vector_store %arg7[%swap3A_135, %swap3A_136], %add3A_132 {strides = array<i32>} : memref<16x2048xf32, #tpu.memory_space<vmem>>, vector<16xf32>,
      }
      %scan3A_35 = arith.constant 128 : i32
      %scan3A_36 = arith.constant 0 : i32
      %scan3A_37 = arith.constant 0 : i32
      %scan3A_38 = arith.constant 128 : i32
      %scan3A_39 = arith.addi %scan3A_37, %scan3A_38 : i32
      %scan3A_40 = arith.constant 1 : i32
      scf.for %scan3A_120 = %scan3A_37 to %scan3A_39 step %scan3A_40  : i32 {
        %mul3A_121 = arith.constant 16 : i32
        %mul3A_122 = arith.muli %scan3A_120, %mul3A_121 : i32
        %get3A = arith.constant 2 : i32
        %get3A_123 = arith.index_cast %get3A : i32 to index
        %get3A_124 = arith.index_cast %mul3A_122 : i32 to index
        %get3A_125 = tpu.vector_load %arg7[%get3A_123, %get3A_124] {strides = array<i32>} : memref<16x2048xf32, #tpu.memory_space<vmem>>, vector<16xf32>,
        %mul3A_126 = arith.constant 16 : i32
        %mul3A_127 = arith.muli %scan3A_120, %mul3A_126 : i32
        %get3A_128 = arith.constant 2 : i32
        %get3A_129 = arith.index_cast %get3A_128 : i32 to index
        %get3A_130 = arith.index_cast %mul3A_127 : i32 to index
        %get3A_131 = tpu.vector_load %arg8[%get3A_129, %get3A_130] {strides = array<i32>} : memref<16x2048xf32, #tpu.memory_space<vmem>>, vector<16xf32>,
        %add3A_132 = arith.addf %get3A_125, %get3A_131 : vector<16xf32>
        %mul3A_133 = arith.constant 16 : i32
        %mul3A_134 = arith.muli %scan3A_120, %mul3A_133 : i32
        %swap3A = arith.constant 2 : i32
        %swap3A_135 = arith.index_cast %swap3A : i32 to index
        %swap3A_136 = arith.index_cast %mul3A_134 : i32 to index
        %swap3A_137 = tpu.vector_load %arg7[%swap3A_135, %swap3A_136] {strides = array<i32>} : memref<16x2048xf32, #tpu.memory_space<vmem>>, vector<16xf32>,
        tpu.vector_store %arg7[%swap3A_135, %swap3A_136], %add3A_132 {strides = array<i32>} : memref<16x2048xf32, #tpu.memory_space<vmem>>, vector<16xf32>,
      }
      %scan3A_41 = arith.constant 128 : i32
      %scan3A_42 = arith.constant 0 : i32
      %scan3A_43 = arith.constant 0 : i32
      %scan3A_44 = arith.constant 128 : i32
      %scan3A_45 = arith.addi %scan3A_43, %scan3A_44 : i32
      %scan3A_46 = arith.constant 1 : i32
      scf.for %scan3A_120 = %scan3A_43 to %scan3A_45 step %scan3A_46  : i32 {
        %mul3A_121 = arith.constant 16 : i32
        %mul3A_122 = arith.muli %scan3A_120, %mul3A_121 : i32
        %get3A = arith.constant 3 : i32
        %get3A_123 = arith.index_cast %get3A : i32 to index
        %get3A_124 = arith.index_cast %mul3A_122 : i32 to index
        %get3A_125 = tpu.vector_load %arg7[%get3A_123, %get3A_124] {strides = array<i32>} : memref<16x2048xf32, #tpu.memory_space<vmem>>, vector<16xf32>,
        %mul3A_126 = arith.constant 16 : i32
        %mul3A_127 = arith.muli %scan3A_120, %mul3A_126 : i32
        %get3A_128 = arith.constant 3 : i32
        %get3A_129 = arith.index_cast %get3A_128 : i32 to index
        %get3A_130 = arith.index_cast %mul3A_127 : i32 to index
        %get3A_131 = tpu.vector_load %arg8[%get3A_129, %get3A_130] {strides = array<i32>} : memref<16x2048xf32, #tpu.memory_space<vmem>>, vector<16xf32>,
        %add3A_132 = arith.addf %get3A_125, %get3A_131 : vector<16xf32>
        %mul3A_133 = arith.constant 16 : i32
        %mul3A_134 = arith.muli %scan3A_120, %mul3A_133 : i32
        %swap3A = arith.constant 3 : i32
        %swap3A_135 = arith.index_cast %swap3A : i32 to index
        %swap3A_136 = arith.index_cast %mul3A_134 : i32 to index
        %swap3A_137 = tpu.vector_load %arg7[%swap3A_135, %swap3A_136] {strides = array<i32>} : memref<16x2048xf32, #tpu.memory_space<vmem>>, vector<16xf32>,
        tpu.vector_store %arg7[%swap3A_135, %swap3A_136], %add3A_132 {strides = array<i32>} : memref<16x2048xf32, #tpu.memory_space<vmem>>, vector<16xf32>,
      }
      %scan3A_47 = arith.constant 128 : i32
      %scan3A_48 = arith.constant 0 : i32
      %scan3A_49 = arith.constant 0 : i32
      %scan3A_50 = arith.constant 128 : i32
      %scan3A_51 = arith.addi %scan3A_49, %scan3A_50 : i32
      %scan3A_52 = arith.constant 1 : i32
      scf.for %scan3A_120 = %scan3A_49 to %scan3A_51 step %scan3A_52  : i32 {
        %mul3A_121 = arith.constant 16 : i32
        %mul3A_122 = arith.muli %scan3A_120, %mul3A_121 : i32
        %get3A = arith.constant 4 : i32
        %get3A_123 = arith.index_cast %get3A : i32 to index
        %get3A_124 = arith.index_cast %mul3A_122 : i32 to index
        %get3A_125 = tpu.vector_load %arg7[%get3A_123, %get3A_124] {strides = array<i32>} : memref<16x2048xf32, #tpu.memory_space<vmem>>, vector<16xf32>,
        %mul3A_126 = arith.constant 16 : i32
        %mul3A_127 = arith.muli %scan3A_120, %mul3A_126 : i32
        %get3A_128 = arith.constant 4 : i32
        %get3A_129 = arith.index_cast %get3A_128 : i32 to index
        %get3A_130 = arith.index_cast %mul3A_127 : i32 to index
        %get3A_131 = tpu.vector_load %arg8[%get3A_129, %get3A_130] {strides = array<i32>} : memref<16x2048xf32, #tpu.memory_space<vmem>>, vector<16xf32>,
        %add3A_132 = arith.addf %get3A_125, %get3A_131 : vector<16xf32>
        %mul3A_133 = arith.constant 16 : i32
        %mul3A_134 = arith.muli %scan3A_120, %mul3A_133 : i32
        %swap3A = arith.constant 4 : i32
        %swap3A_135 = arith.index_cast %swap3A : i32 to index
        %swap3A_136 = arith.index_cast %mul3A_134 : i32 to index
        %swap3A_137 = tpu.vector_load %arg7[%swap3A_135, %swap3A_136] {strides = array<i32>} : memref<16x2048xf32, #tpu.memory_space<vmem>>, vector<16xf32>,
        tpu.vector_store %arg7[%swap3A_135, %swap3A_136], %add3A_132 {strides = array<i32>} : memref<16x2048xf32, #tpu.memory_space<vmem>>, vector<16xf32>,
      }
      %scan3A_53 = arith.constant 128 : i32
      %scan3A_54 = arith.constant 0 : i32
      %scan3A_55 = arith.constant 0 : i32
      %scan3A_56 = arith.constant 128 : i32
      %scan3A_57 = arith.addi %scan3A_55, %scan3A_56 : i32
      %scan3A_58 = arith.constant 1 : i32
      scf.for %scan3A_120 = %scan3A_55 to %scan3A_57 step %scan3A_58  : i32 {
        %mul3A_121 = arith.constant 16 : i32
        %mul3A_122 = arith.muli %scan3A_120, %mul3A_121 : i32
        %get3A = arith.constant 5 : i32
        %get3A_123 = arith.index_cast %get3A : i32 to index
        %get3A_124 = arith.index_cast %mul3A_122 : i32 to index
        %get3A_125 = tpu.vector_load %arg7[%get3A_123, %get3A_124] {strides = array<i32>} : memref<16x2048xf32, #tpu.memory_space<vmem>>, vector<16xf32>,
        %mul3A_126 = arith.constant 16 : i32
        %mul3A_127 = arith.muli %scan3A_120, %mul3A_126 : i32
        %get3A_128 = arith.constant 5 : i32
        %get3A_129 = arith.index_cast %get3A_128 : i32 to index
        %get3A_130 = arith.index_cast %mul3A_127 : i32 to index
        %get3A_131 = tpu.vector_load %arg8[%get3A_129, %get3A_130] {strides = array<i32>} : memref<16x2048xf32, #tpu.memory_space<vmem>>, vector<16xf32>,
        %add3A_132 = arith.addf %get3A_125, %get3A_131 : vector<16xf32>
        %mul3A_133 = arith.constant 16 : i32
        %mul3A_134 = arith.muli %scan3A_120, %mul3A_133 : i32
        %swap3A = arith.constant 5 : i32
        %swap3A_135 = arith.index_cast %swap3A : i32 to index
        %swap3A_136 = arith.index_cast %mul3A_134 : i32 to index
        %swap3A_137 = tpu.vector_load %arg7[%swap3A_135, %swap3A_136] {strides = array<i32>} : memref<16x2048xf32, #tpu.memory_space<vmem>>, vector<16xf32>,
        tpu.vector_store %arg7[%swap3A_135, %swap3A_136], %add3A_132 {strides = array<i32>} : memref<16x2048xf32, #tpu.memory_space<vmem>>, vector<16xf32>,
      }
      %scan3A_59 = arith.constant 128 : i32
      %scan3A_60 = arith.constant 0 : i32
      %scan3A_61 = arith.constant 0 : i32
      %scan3A_62 = arith.constant 128 : i32
      %scan3A_63 = arith.addi %scan3A_61, %scan3A_62 : i32
      %scan3A_64 = arith.constant 1 : i32
      scf.for %scan3A_120 = %scan3A_61 to %scan3A_63 step %scan3A_64  : i32 {
        %mul3A_121 = arith.constant 16 : i32
        %mul3A_122 = arith.muli %scan3A_120, %mul3A_121 : i32
        %get3A = arith.constant 6 : i32
        %get3A_123 = arith.index_cast %get3A : i32 to index
        %get3A_124 = arith.index_cast %mul3A_122 : i32 to index
        %get3A_125 = tpu.vector_load %arg7[%get3A_123, %get3A_124] {strides = array<i32>} : memref<16x2048xf32, #tpu.memory_space<vmem>>, vector<16xf32>,
        %mul3A_126 = arith.constant 16 : i32
        %mul3A_127 = arith.muli %scan3A_120, %mul3A_126 : i32
        %get3A_128 = arith.constant 6 : i32
        %get3A_129 = arith.index_cast %get3A_128 : i32 to index
        %get3A_130 = arith.index_cast %mul3A_127 : i32 to index
        %get3A_131 = tpu.vector_load %arg8[%get3A_129, %get3A_130] {strides = array<i32>} : memref<16x2048xf32, #tpu.memory_space<vmem>>, vector<16xf32>,
        %add3A_132 = arith.addf %get3A_125, %get3A_131 : vector<16xf32>
        %mul3A_133 = arith.constant 16 : i32
        %mul3A_134 = arith.muli %scan3A_120, %mul3A_133 : i32
        %swap3A = arith.constant 6 : i32
        %swap3A_135 = arith.index_cast %swap3A : i32 to index
        %swap3A_136 = arith.index_cast %mul3A_134 : i32 to index
        %swap3A_137 = tpu.vector_load %arg7[%swap3A_135, %swap3A_136] {strides = array<i32>} : memref<16x2048xf32, #tpu.memory_space<vmem>>, vector<16xf32>,
        tpu.vector_store %arg7[%swap3A_135, %swap3A_136], %add3A_132 {strides = array<i32>} : memref<16x2048xf32, #tpu.memory_space<vmem>>, vector<16xf32>,
      }
      %scan3A_65 = arith.constant 128 : i32
      %scan3A_66 = arith.constant 0 : i32
      %scan3A_67 = arith.constant 0 : i32
      %scan3A_68 = arith.constant 128 : i32
      %scan3A_69 = arith.addi %scan3A_67, %scan3A_68 : i32
      %scan3A_70 = arith.constant 1 : i32
      scf.for %scan3A_120 = %scan3A_67 to %scan3A_69 step %scan3A_70  : i32 {
        %mul3A_121 = arith.constant 16 : i32
        %mul3A_122 = arith.muli %scan3A_120, %mul3A_121 : i32
        %get3A = arith.constant 7 : i32
        %get3A_123 = arith.index_cast %get3A : i32 to index
        %get3A_124 = arith.index_cast %mul3A_122 : i32 to index
        %get3A_125 = tpu.vector_load %arg7[%get3A_123, %get3A_124] {strides = array<i32>} : memref<16x2048xf32, #tpu.memory_space<vmem>>, vector<16xf32>,
        %mul3A_126 = arith.constant 16 : i32
        %mul3A_127 = arith.muli %scan3A_120, %mul3A_126 : i32
        %get3A_128 = arith.constant 7 : i32
        %get3A_129 = arith.index_cast %get3A_128 : i32 to index
        %get3A_130 = arith.index_cast %mul3A_127 : i32 to index
        %get3A_131 = tpu.vector_load %arg8[%get3A_129, %get3A_130] {strides = array<i32>} : memref<16x2048xf32, #tpu.memory_space<vmem>>, vector<16xf32>,
        %add3A_132 = arith.addf %get3A_125, %get3A_131 : vector<16xf32>
        %mul3A_133 = arith.constant 16 : i32
        %mul3A_134 = arith.muli %scan3A_120, %mul3A_133 : i32
        %swap3A = arith.constant 7 : i32
        %swap3A_135 = arith.index_cast %swap3A : i32 to index
        %swap3A_136 = arith.index_cast %mul3A_134 : i32 to index
        %swap3A_137 = tpu.vector_load %arg7[%swap3A_135, %swap3A_136] {strides = array<i32>} : memref<16x2048xf32, #tpu.memory_space<vmem>>, vector<16xf32>,
        tpu.vector_store %arg7[%swap3A_135, %swap3A_136], %add3A_132 {strides = array<i32>} : memref<16x2048xf32, #tpu.memory_space<vmem>>, vector<16xf32>,
      }
      %scan3A_71 = arith.constant 128 : i32
      %scan3A_72 = arith.constant 0 : i32
      %scan3A_73 = arith.constant 0 : i32
      %scan3A_74 = arith.constant 128 : i32
      %scan3A_75 = arith.addi %scan3A_73, %scan3A_74 : i32
      %scan3A_76 = arith.constant 1 : i32
      scf.for %scan3A_120 = %scan3A_73 to %scan3A_75 step %scan3A_76  : i32 {
        %mul3A_121 = arith.constant 16 : i32
        %mul3A_122 = arith.muli %scan3A_120, %mul3A_121 : i32
        %get3A = arith.constant 8 : i32
        %get3A_123 = arith.index_cast %get3A : i32 to index
        %get3A_124 = arith.index_cast %mul3A_122 : i32 to index
        %get3A_125 = tpu.vector_load %arg7[%get3A_123, %get3A_124] {strides = array<i32>} : memref<16x2048xf32, #tpu.memory_space<vmem>>, vector<16xf32>,
        %mul3A_126 = arith.constant 16 : i32
        %mul3A_127 = arith.muli %scan3A_120, %mul3A_126 : i32
        %get3A_128 = arith.constant 8 : i32
        %get3A_129 = arith.index_cast %get3A_128 : i32 to index
        %get3A_130 = arith.index_cast %mul3A_127 : i32 to index
        %get3A_131 = tpu.vector_load %arg8[%get3A_129, %get3A_130] {strides = array<i32>} : memref<16x2048xf32, #tpu.memory_space<vmem>>, vector<16xf32>,
        %add3A_132 = arith.addf %get3A_125, %get3A_131 : vector<16xf32>
        %mul3A_133 = arith.constant 16 : i32
        %mul3A_134 = arith.muli %scan3A_120, %mul3A_133 : i32
        %swap3A = arith.constant 8 : i32
        %swap3A_135 = arith.index_cast %swap3A : i32 to index
        %swap3A_136 = arith.index_cast %mul3A_134 : i32 to index
        %swap3A_137 = tpu.vector_load %arg7[%swap3A_135, %swap3A_136] {strides = array<i32>} : memref<16x2048xf32, #tpu.memory_space<vmem>>, vector<16xf32>,
        tpu.vector_store %arg7[%swap3A_135, %swap3A_136], %add3A_132 {strides = array<i32>} : memref<16x2048xf32, #tpu.memory_space<vmem>>, vector<16xf32>,
      }
      %scan3A_77 = arith.constant 128 : i32
      %scan3A_78 = arith.constant 0 : i32
      %scan3A_79 = arith.constant 0 : i32
      %scan3A_80 = arith.constant 128 : i32
      %scan3A_81 = arith.addi %scan3A_79, %scan3A_80 : i32
      %scan3A_82 = arith.constant 1 : i32
      scf.for %scan3A_120 = %scan3A_79 to %scan3A_81 step %scan3A_82  : i32 {
        %mul3A_121 = arith.constant 16 : i32
        %mul3A_122 = arith.muli %scan3A_120, %mul3A_121 : i32
        %get3A = arith.constant 9 : i32
        %get3A_123 = arith.index_cast %get3A : i32 to index
        %get3A_124 = arith.index_cast %mul3A_122 : i32 to index
        %get3A_125 = tpu.vector_load %arg7[%get3A_123, %get3A_124] {strides = array<i32>} : memref<16x2048xf32, #tpu.memory_space<vmem>>, vector<16xf32>,
        %mul3A_126 = arith.constant 16 : i32
        %mul3A_127 = arith.muli %scan3A_120, %mul3A_126 : i32
        %get3A_128 = arith.constant 9 : i32
        %get3A_129 = arith.index_cast %get3A_128 : i32 to index
        %get3A_130 = arith.index_cast %mul3A_127 : i32 to index
        %get3A_131 = tpu.vector_load %arg8[%get3A_129, %get3A_130] {strides = array<i32>} : memref<16x2048xf32, #tpu.memory_space<vmem>>, vector<16xf32>,
        %add3A_132 = arith.addf %get3A_125, %get3A_131 : vector<16xf32>
        %mul3A_133 = arith.constant 16 : i32
        %mul3A_134 = arith.muli %scan3A_120, %mul3A_133 : i32
        %swap3A = arith.constant 9 : i32
        %swap3A_135 = arith.index_cast %swap3A : i32 to index
        %swap3A_136 = arith.index_cast %mul3A_134 : i32 to index
        %swap3A_137 = tpu.vector_load %arg7[%swap3A_135, %swap3A_136] {strides = array<i32>} : memref<16x2048xf32, #tpu.memory_space<vmem>>, vector<16xf32>,
        tpu.vector_store %arg7[%swap3A_135, %swap3A_136], %add3A_132 {strides = array<i32>} : memref<16x2048xf32, #tpu.memory_space<vmem>>, vector<16xf32>,
      }
      %scan3A_83 = arith.constant 128 : i32
      %scan3A_84 = arith.constant 0 : i32
      %scan3A_85 = arith.constant 0 : i32
      %scan3A_86 = arith.constant 128 : i32
      %scan3A_87 = arith.addi %scan3A_85, %scan3A_86 : i32
      %scan3A_88 = arith.constant 1 : i32
      scf.for %scan3A_120 = %scan3A_85 to %scan3A_87 step %scan3A_88  : i32 {
        %mul3A_121 = arith.constant 16 : i32
        %mul3A_122 = arith.muli %scan3A_120, %mul3A_121 : i32
        %get3A = arith.constant 10 : i32
        %get3A_123 = arith.index_cast %get3A : i32 to index
        %get3A_124 = arith.index_cast %mul3A_122 : i32 to index
        %get3A_125 = tpu.vector_load %arg7[%get3A_123, %get3A_124] {strides = array<i32>} : memref<16x2048xf32, #tpu.memory_space<vmem>>, vector<16xf32>,
        %mul3A_126 = arith.constant 16 : i32
        %mul3A_127 = arith.muli %scan3A_120, %mul3A_126 : i32
        %get3A_128 = arith.constant 10 : i32
        %get3A_129 = arith.index_cast %get3A_128 : i32 to index
        %get3A_130 = arith.index_cast %mul3A_127 : i32 to index
        %get3A_131 = tpu.vector_load %arg8[%get3A_129, %get3A_130] {strides = array<i32>} : memref<16x2048xf32, #tpu.memory_space<vmem>>, vector<16xf32>,
        %add3A_132 = arith.addf %get3A_125, %get3A_131 : vector<16xf32>
        %mul3A_133 = arith.constant 16 : i32
        %mul3A_134 = arith.muli %scan3A_120, %mul3A_133 : i32
        %swap3A = arith.constant 10 : i32
        %swap3A_135 = arith.index_cast %swap3A : i32 to index
        %swap3A_136 = arith.index_cast %mul3A_134 : i32 to index
        %swap3A_137 = tpu.vector_load %arg7[%swap3A_135, %swap3A_136] {strides = array<i32>} : memref<16x2048xf32, #tpu.memory_space<vmem>>, vector<16xf32>,
        tpu.vector_store %arg7[%swap3A_135, %swap3A_136], %add3A_132 {strides = array<i32>} : memref<16x2048xf32, #tpu.memory_space<vmem>>, vector<16xf32>,
      }
      %scan3A_89 = arith.constant 128 : i32
      %scan3A_90 = arith.constant 0 : i32
      %scan3A_91 = arith.constant 0 : i32
      %scan3A_92 = arith.constant 128 : i32
      %scan3A_93 = arith.addi %scan3A_91, %scan3A_92 : i32
      %scan3A_94 = arith.constant 1 : i32
      scf.for %scan3A_120 = %scan3A_91 to %scan3A_93 step %scan3A_94  : i32 {
        %mul3A_121 = arith.constant 16 : i32
        %mul3A_122 = arith.muli %scan3A_120, %mul3A_121 : i32
        %get3A = arith.constant 11 : i32
        %get3A_123 = arith.index_cast %get3A : i32 to index
        %get3A_124 = arith.index_cast %mul3A_122 : i32 to index
        %get3A_125 = tpu.vector_load %arg7[%get3A_123, %get3A_124] {strides = array<i32>} : memref<16x2048xf32, #tpu.memory_space<vmem>>, vector<16xf32>,
        %mul3A_126 = arith.constant 16 : i32
        %mul3A_127 = arith.muli %scan3A_120, %mul3A_126 : i32
        %get3A_128 = arith.constant 11 : i32
        %get3A_129 = arith.index_cast %get3A_128 : i32 to index
        %get3A_130 = arith.index_cast %mul3A_127 : i32 to index
        %get3A_131 = tpu.vector_load %arg8[%get3A_129, %get3A_130] {strides = array<i32>} : memref<16x2048xf32, #tpu.memory_space<vmem>>, vector<16xf32>,
        %add3A_132 = arith.addf %get3A_125, %get3A_131 : vector<16xf32>
        %mul3A_133 = arith.constant 16 : i32
        %mul3A_134 = arith.muli %scan3A_120, %mul3A_133 : i32
        %swap3A = arith.constant 11 : i32
        %swap3A_135 = arith.index_cast %swap3A : i32 to index
        %swap3A_136 = arith.index_cast %mul3A_134 : i32 to index
        %swap3A_137 = tpu.vector_load %arg7[%swap3A_135, %swap3A_136] {strides = array<i32>} : memref<16x2048xf32, #tpu.memory_space<vmem>>, vector<16xf32>,
        tpu.vector_store %arg7[%swap3A_135, %swap3A_136], %add3A_132 {strides = array<i32>} : memref<16x2048xf32, #tpu.memory_space<vmem>>, vector<16xf32>,
      }
      %scan3A_95 = arith.constant 128 : i32
      %scan3A_96 = arith.constant 0 : i32
      %scan3A_97 = arith.constant 0 : i32
      %scan3A_98 = arith.constant 128 : i32
      %scan3A_99 = arith.addi %scan3A_97, %scan3A_98 : i32
      %scan3A_100 = arith.constant 1 : i32
      scf.for %scan3A_120 = %scan3A_97 to %scan3A_99 step %scan3A_100  : i32 {
        %mul3A_121 = arith.constant 16 : i32
        %mul3A_122 = arith.muli %scan3A_120, %mul3A_121 : i32
        %get3A = arith.constant 12 : i32
        %get3A_123 = arith.index_cast %get3A : i32 to index
        %get3A_124 = arith.index_cast %mul3A_122 : i32 to index
        %get3A_125 = tpu.vector_load %arg7[%get3A_123, %get3A_124] {strides = array<i32>} : memref<16x2048xf32, #tpu.memory_space<vmem>>, vector<16xf32>,
        %mul3A_126 = arith.constant 16 : i32
        %mul3A_127 = arith.muli %scan3A_120, %mul3A_126 : i32
        %get3A_128 = arith.constant 12 : i32
        %get3A_129 = arith.index_cast %get3A_128 : i32 to index
        %get3A_130 = arith.index_cast %mul3A_127 : i32 to index
        %get3A_131 = tpu.vector_load %arg8[%get3A_129, %get3A_130] {strides = array<i32>} : memref<16x2048xf32, #tpu.memory_space<vmem>>, vector<16xf32>,
        %add3A_132 = arith.addf %get3A_125, %get3A_131 : vector<16xf32>
        %mul3A_133 = arith.constant 16 : i32
        %mul3A_134 = arith.muli %scan3A_120, %mul3A_133 : i32
        %swap3A = arith.constant 12 : i32
        %swap3A_135 = arith.index_cast %swap3A : i32 to index
        %swap3A_136 = arith.index_cast %mul3A_134 : i32 to index
        %swap3A_137 = tpu.vector_load %arg7[%swap3A_135, %swap3A_136] {strides = array<i32>} : memref<16x2048xf32, #tpu.memory_space<vmem>>, vector<16xf32>,
        tpu.vector_store %arg7[%swap3A_135, %swap3A_136], %add3A_132 {strides = array<i32>} : memref<16x2048xf32, #tpu.memory_space<vmem>>, vector<16xf32>,
      }
      %scan3A_101 = arith.constant 128 : i32
      %scan3A_102 = arith.constant 0 : i32
      %scan3A_103 = arith.constant 0 : i32
      %scan3A_104 = arith.constant 128 : i32
      %scan3A_105 = arith.addi %scan3A_103, %scan3A_104 : i32
      %scan3A_106 = arith.constant 1 : i32
      scf.for %scan3A_120 = %scan3A_103 to %scan3A_105 step %scan3A_106  : i32 {
        %mul3A_121 = arith.constant 16 : i32
        %mul3A_122 = arith.muli %scan3A_120, %mul3A_121 : i32
        %get3A = arith.constant 13 : i32
        %get3A_123 = arith.index_cast %get3A : i32 to index
        %get3A_124 = arith.index_cast %mul3A_122 : i32 to index
        %get3A_125 = tpu.vector_load %arg7[%get3A_123, %get3A_124] {strides = array<i32>} : memref<16x2048xf32, #tpu.memory_space<vmem>>, vector<16xf32>,
        %mul3A_126 = arith.constant 16 : i32
        %mul3A_127 = arith.muli %scan3A_120, %mul3A_126 : i32
        %get3A_128 = arith.constant 13 : i32
        %get3A_129 = arith.index_cast %get3A_128 : i32 to index
        %get3A_130 = arith.index_cast %mul3A_127 : i32 to index
        %get3A_131 = tpu.vector_load %arg8[%get3A_129, %get3A_130] {strides = array<i32>} : memref<16x2048xf32, #tpu.memory_space<vmem>>, vector<16xf32>,
        %add3A_132 = arith.addf %get3A_125, %get3A_131 : vector<16xf32>
        %mul3A_133 = arith.constant 16 : i32
        %mul3A_134 = arith.muli %scan3A_120, %mul3A_133 : i32
        %swap3A = arith.constant 13 : i32
        %swap3A_135 = arith.index_cast %swap3A : i32 to index
        %swap3A_136 = arith.index_cast %mul3A_134 : i32 to index
        %swap3A_137 = tpu.vector_load %arg7[%swap3A_135, %swap3A_136] {strides = array<i32>} : memref<16x2048xf32, #tpu.memory_space<vmem>>, vector<16xf32>,
        tpu.vector_store %arg7[%swap3A_135, %swap3A_136], %add3A_132 {strides = array<i32>} : memref<16x2048xf32, #tpu.memory_space<vmem>>, vector<16xf32>,
      }
      %scan3A_107 = arith.constant 128 : i32
      %scan3A_108 = arith.constant 0 : i32
      %scan3A_109 = arith.constant 0 : i32
      %scan3A_110 = arith.constant 128 : i32
      %scan3A_111 = arith.addi %scan3A_109, %scan3A_110 : i32
      %scan3A_112 = arith.constant 1 : i32
      scf.for %scan3A_120 = %scan3A_109 to %scan3A_111 step %scan3A_112  : i32 {
        %mul3A_121 = arith.constant 16 : i32
        %mul3A_122 = arith.muli %scan3A_120, %mul3A_121 : i32
        %get3A = arith.constant 14 : i32
        %get3A_123 = arith.index_cast %get3A : i32 to index
        %get3A_124 = arith.index_cast %mul3A_122 : i32 to index
        %get3A_125 = tpu.vector_load %arg7[%get3A_123, %get3A_124] {strides = array<i32>} : memref<16x2048xf32, #tpu.memory_space<vmem>>, vector<16xf32>,
        %mul3A_126 = arith.constant 16 : i32
        %mul3A_127 = arith.muli %scan3A_120, %mul3A_126 : i32
        %get3A_128 = arith.constant 14 : i32
        %get3A_129 = arith.index_cast %get3A_128 : i32 to index
        %get3A_130 = arith.index_cast %mul3A_127 : i32 to index
        %get3A_131 = tpu.vector_load %arg8[%get3A_129, %get3A_130] {strides = array<i32>} : memref<16x2048xf32, #tpu.memory_space<vmem>>, vector<16xf32>,
        %add3A_132 = arith.addf %get3A_125, %get3A_131 : vector<16xf32>
        %mul3A_133 = arith.constant 16 : i32
        %mul3A_134 = arith.muli %scan3A_120, %mul3A_133 : i32
        %swap3A = arith.constant 14 : i32
        %swap3A_135 = arith.index_cast %swap3A : i32 to index
        %swap3A_136 = arith.index_cast %mul3A_134 : i32 to index
        %swap3A_137 = tpu.vector_load %arg7[%swap3A_135, %swap3A_136] {strides = array<i32>} : memref<16x2048xf32, #tpu.memory_space<vmem>>, vector<16xf32>,
        tpu.vector_store %arg7[%swap3A_135, %swap3A_136], %add3A_132 {strides = array<i32>} : memref<16x2048xf32, #tpu.memory_space<vmem>>, vector<16xf32>,
      }
      %scan3A_113 = arith.constant 128 : i32
      %scan3A_114 = arith.constant 0 : i32
      %scan3A_115 = arith.constant 0 : i32
      %scan3A_116 = arith.constant 128 : i32
      %scan3A_117 = arith.addi %scan3A_115, %scan3A_116 : i32
      %scan3A_118 = arith.constant 1 : i32
      scf.for %scan3A_120 = %scan3A_115 to %scan3A_117 step %scan3A_118  : i32 {
        %mul3A_121 = arith.constant 16 : i32
        %mul3A_122 = arith.muli %scan3A_120, %mul3A_121 : i32
        %get3A = arith.constant 15 : i32
        %get3A_123 = arith.index_cast %get3A : i32 to index
        %get3A_124 = arith.index_cast %mul3A_122 : i32 to index
        %get3A_125 = tpu.vector_load %arg7[%get3A_123, %get3A_124] {strides = array<i32>} : memref<16x2048xf32, #tpu.memory_space<vmem>>, vector<16xf32>,
        %mul3A_126 = arith.constant 16 : i32
        %mul3A_127 = arith.muli %scan3A_120, %mul3A_126 : i32
        %get3A_128 = arith.constant 15 : i32
        %get3A_129 = arith.index_cast %get3A_128 : i32 to index
        %get3A_130 = arith.index_cast %mul3A_127 : i32 to index
        %get3A_131 = tpu.vector_load %arg8[%get3A_129, %get3A_130] {strides = array<i32>} : memref<16x2048xf32, #tpu.memory_space<vmem>>, vector<16xf32>,
        %add3A_132 = arith.addf %get3A_125, %get3A_131 : vector<16xf32>
        %mul3A_133 = arith.constant 16 : i32
        %mul3A_134 = arith.muli %scan3A_120, %mul3A_133 : i32
        %swap3A = arith.constant 15 : i32
        %swap3A_135 = arith.index_cast %swap3A : i32 to index
        %swap3A_136 = arith.index_cast %mul3A_134 : i32 to index
        %swap3A_137 = tpu.vector_load %arg7[%swap3A_135, %swap3A_136] {strides = array<i32>} : memref<16x2048xf32, #tpu.memory_space<vmem>>, vector<16xf32>,
        tpu.vector_store %arg7[%swap3A_135, %swap3A_136], %add3A_132 {strides = array<i32>} : memref<16x2048xf32, #tpu.memory_space<vmem>>, vector<16xf32>,
      }
      %scan3A_119 = arith.constant 128 : i32
      "tpu.region"() ({
        %run_scoped3A = tpu.sem_alloc : memref<!tpu.dma_semaphore, #tpu.memory_space<semaphore_mem>>
        %dma_start3A_120 = arith.constant 0 : i32
        %dma_start3A_121 = tpu.memref_slice %arg4[%add3A_11, %dma_start3A_120] : memref<4096x2048xf32, #tpu.memory_space<hbm>> -> memref<16x2048xf32, #tpu.memory_space<hbm>>
        %dma_start3A_122 = arith.constant 0 : i32
        %dma_start3A_123 = tpu.memref_slice %arg4[%add3A_11, %dma_start3A_122] : memref<4096x2048xf32, #tpu.memory_space<hbm>> -> memref<16x2048xf32, #tpu.memory_space<hbm>>
        tpu.enqueue_dma source(%arg7 : memref<16x2048xf32, #tpu.memory_space<vmem>>) target(%dma_start3A_123 : memref<16x2048xf32, #tpu.memory_space<hbm>>) target_semaphore(%run_scoped3A : memref<!tpu.dma_semaphore, #tpu.memory_space<semaphore_mem>>)
        %dma_wait3A_124 = arith.constant 0 : i32
        %dma_wait3A_125 = tpu.memref_slice %arg4[%add3A_11, %dma_wait3A_124] : memref<4096x2048xf32, #tpu.memory_space<hbm>> -> memref<16x2048xf32, #tpu.memory_space<hbm>>
        %dma_wait3A_126 = arith.constant 0 : i32
        %dma_wait3A_127 = tpu.memref_slice %arg4[%add3A_11, %dma_wait3A_126] : memref<4096x2048xf32, #tpu.memory_space<hbm>> -> memref<16x2048xf32, #tpu.memory_space<hbm>>
        tpu.wait_dma2 semaphore(%run_scoped3A : memref<!tpu.dma_semaphore, #tpu.memory_space<semaphore_mem>>) src(%arg7 : memref<16x2048xf32, #tpu.memory_space<vmem>>) dst(%dma_wait3A_127 : memref<16x2048xf32, #tpu.memory_space<hbm>>)
        tpu.yield
      }) : () -> ()
    }
    %scan3A_7 = arith.constant 8 : i32
    return
  }
}

module attributes {stable_mosaic.version = 14 : i64} {
  func.func @_router_body(%arg0: i32, %arg1: memref<512x2048xf32, #tpu.memory_space<vmem>>, %arg2: memref<16x2048xf32, #tpu.memory_space<vmem>>, %arg3: memref<512x16xf32, #tpu.memory_space<vmem>>, %arg4: memref<512x2xf32, #tpu.memory_space<vmem>>, %arg5: memref<512x2xi32, #tpu.memory_space<vmem>>) attributes {dimension_semantics = [#tpu.dimension_semantics<arbitrary>], iteration_bounds = array<i64: 8>, scalar_prefetch = 0 : i64, scratch_operands = 0 : i64, tpu.core_type = #tpu.core_type<tc>, window_params = [{transform_indices = @transform_0, window_bounds = array<i64: 512, 2048>}, {pipeline_mode = #tpu.pipeline_mode<synchronous>, transform_indices = @transform_1, window_bounds = array<i64: 16, 2048>}, {transform_indices = @transform_2, window_bounds = array<i64: 512, 16>}, {transform_indices = @transform_3, window_bounds = array<i64: 512, 2>}, {transform_indices = @transform_4, window_bounds = array<i64: 512, 2>}]} {
    %get3A = arith.constant 0 : index
    %get3A_0 = arith.constant 0 : index
    %get3A_1 = vector.load %arg1[%get3A, %get3A_0] : memref<512x2048xf32, #tpu.memory_space<vmem>>, vector<512x2048xf32>
    %get3A_2 = arith.constant 0 : index
    %get3A_3 = arith.constant 0 : index
    %get3A_4 = vector.load %arg2[%get3A_2, %get3A_3] : memref<16x2048xf32, #tpu.memory_space<vmem>>, vector<16x2048xf32>
    %dot_general3A = arith.constant dense<0.000000e+00> : vector<512x16xf32>
    %dot_general3A_5 = tpu.matmul %get3A_1, %get3A_4, %dot_general3A {dimension_numbers = #tpu.dot_dimension_numbers<[1], [1], [0], [0], [0, 0, 1, 0], [], []>, transpose_lhs_hint = false} : vector<512x2048xf32>, vector<16x2048xf32>, vector<512x16xf32> -> vector<512x16xf32>
    %reduce_max3A = arith.constant dense<0xFF800000> : vector<512xf32>
    %reduce_max3A_6 = vector.multi_reduction <maximumf>, %dot_general3A_5, %reduce_max3A [1] : vector<512x16xf32> to vector<512xf32>
    %broadcast_in_dim3A = vector.shape_cast %reduce_max3A_6 : vector<512xf32> to vector<512x1xf32>
    %sub3A = vector.broadcast %broadcast_in_dim3A : vector<512x1xf32> to vector<512x16xf32>
    %sub3A_7 = arith.subf %dot_general3A_5, %sub3A : vector<512x16xf32>
    %exp3A = math.exp %sub3A_7 : vector<512x16xf32>
    %reduce_sum3A = arith.constant dense<0.000000e+00> : vector<512xf32>
    %reduce_sum3A_8 = vector.multi_reduction <add>, %exp3A, %reduce_sum3A [1] : vector<512x16xf32> to vector<512xf32>
    %broadcast_in_dim3A_9 = vector.shape_cast %reduce_sum3A_8 : vector<512xf32> to vector<512x1xf32>
    %div3A = vector.broadcast %broadcast_in_dim3A_9 : vector<512x1xf32> to vector<512x16xf32>
    %div3A_10 = arith.divf %exp3A, %div3A : vector<512x16xf32>
    %iota3A = tpu.iota {dimensions = array<i32: 1>} : vector<512x16xi32>
    %reduce_max3A_11 = arith.constant dense<0xFF800000> : vector<512xf32>
    %reduce_max3A_12 = vector.multi_reduction <maximumf>, %div3A_10, %reduce_max3A_11 [1] : vector<512x16xf32> to vector<512xf32>
    %broadcast_in_dim3A_13 = vector.shape_cast %reduce_max3A_12 : vector<512xf32> to vector<512x1xf32>
    %eq3A = vector.broadcast %broadcast_in_dim3A_13 : vector<512x1xf32> to vector<512x16xf32>
    %eq3A_14 = arith.cmpf oeq, %div3A_10, %eq3A : vector<512x16xf32>
    %jit3A = arith.constant 16 : i32
    %broadcast_in_dim3A_15 = vector.broadcast %jit3A : i32 to vector<512x16xi32>
    %select_n3A = arith.select %eq3A_14, %iota3A, %broadcast_in_dim3A_15 : vector<512x16xi1>, vector<512x16xi32>
    %reduce_min3A = arith.constant dense<2147483647> : vector<512xi32>
    %reduce_min3A_16 = vector.multi_reduction <minsi>, %select_n3A, %reduce_min3A [1] : vector<512x16xi32> to vector<512xi32>
    %broadcast_in_dim3A_17 = vector.shape_cast %reduce_min3A_16 : vector<512xi32> to vector<512x1xi32>
    %eq3A_18 = vector.broadcast %broadcast_in_dim3A_17 : vector<512x1xi32> to vector<512x16xi32>
    %eq3A_19 = arith.cmpi eq, %iota3A, %eq3A_18 : vector<512x16xi32>
    %jit3A_20 = arith.constant -1.000000e+00 : f32
    %broadcast_in_dim3A_21 = vector.broadcast %jit3A_20 : f32 to vector<512x16xf32>
    %select_n3A_22 = arith.select %eq3A_19, %broadcast_in_dim3A_21, %div3A_10 : vector<512x16xi1>, vector<512x16xf32>
    %reduce_max3A_23 = arith.constant dense<0xFF800000> : vector<512xf32>
    %reduce_max3A_24 = vector.multi_reduction <maximumf>, %select_n3A_22, %reduce_max3A_23 [1] : vector<512x16xf32> to vector<512xf32>
    %broadcast_in_dim3A_25 = vector.shape_cast %reduce_max3A_24 : vector<512xf32> to vector<512x1xf32>
    %eq3A_26 = vector.broadcast %broadcast_in_dim3A_25 : vector<512x1xf32> to vector<512x16xf32>
    %eq3A_27 = arith.cmpf oeq, %select_n3A_22, %eq3A_26 : vector<512x16xf32>
    %jit3A_28 = arith.constant 16 : i32
    %broadcast_in_dim3A_29 = vector.broadcast %jit3A_28 : i32 to vector<512x16xi32>
    %select_n3A_30 = arith.select %eq3A_27, %iota3A, %broadcast_in_dim3A_29 : vector<512x16xi1>, vector<512x16xi32>
    %reduce_min3A_31 = arith.constant dense<2147483647> : vector<512xi32>
    %reduce_min3A_32 = vector.multi_reduction <minsi>, %select_n3A_30, %reduce_min3A_31 [1] : vector<512x16xi32> to vector<512xi32>
    %broadcast_in_dim3A_33 = vector.shape_cast %reduce_min3A_32 : vector<512xi32> to vector<512x1xi32>
    %add3A = arith.addf %broadcast_in_dim3A_13, %broadcast_in_dim3A_25 : vector<512x1xf32>
    %swap3A = arith.constant 0 : index
    %swap3A_34 = arith.constant 0 : index
    %swap3A_35 = vector.load %arg3[%swap3A, %swap3A_34] : memref<512x16xf32, #tpu.memory_space<vmem>>, vector<512x16xf32>
    tpu.vector_store %arg3[%swap3A, %swap3A_34], %dot_general3A_5 {strides = array<i32>} : memref<512x16xf32, #tpu.memory_space<vmem>>, vector<512x16xf32>,
    %div3A_36 = arith.divf %broadcast_in_dim3A_13, %add3A : vector<512x1xf32>
    %div3A_37 = arith.divf %broadcast_in_dim3A_25, %add3A : vector<512x1xf32>
    %concatenate3A = tpu.concatenate %div3A_36, %div3A_37 in 1 : vector<512x1xf32>, vector<512x1xf32> -> vector<512x2xf32>
    %swap3A_38 = arith.constant 0 : index
    %swap3A_39 = arith.constant 0 : index
    %swap3A_40 = vector.load %arg4[%swap3A_38, %swap3A_39] : memref<512x2xf32, #tpu.memory_space<vmem>>, vector<512x2xf32>
    tpu.vector_store %arg4[%swap3A_38, %swap3A_39], %concatenate3A {strides = array<i32>} : memref<512x2xf32, #tpu.memory_space<vmem>>, vector<512x2xf32>,
    %concatenate3A_41 = tpu.concatenate %broadcast_in_dim3A_17, %broadcast_in_dim3A_33 in 1 : vector<512x1xi32>, vector<512x1xi32> -> vector<512x2xi32>
    %swap3A_42 = arith.constant 0 : index
    %swap3A_43 = arith.constant 0 : index
    %swap3A_44 = vector.load %arg5[%swap3A_42, %swap3A_43] : memref<512x2xi32, #tpu.memory_space<vmem>>, vector<512x2xi32>
    tpu.vector_store %arg5[%swap3A_42, %swap3A_43], %concatenate3A_41 {strides = array<i32>} : memref<512x2xi32, #tpu.memory_space<vmem>>, vector<512x2xi32>,
    return
  }
  func.func @transform_0(%arg0: i32) -> (i32, i32) {
    %c0_i32 = arith.constant 0 : i32
    %c0_i32_0 = arith.constant 0 : i32
    return %arg0, %c0_i32 : i32, i32
  }
  func.func @transform_1(%arg0: i32) -> (i32, i32) {
    %c0_i32 = arith.constant 0 : i32
    %c0_i32_0 = arith.constant 0 : i32
    %c0_i32_1 = arith.constant 0 : i32
    return %c0_i32, %c0_i32_0 : i32, i32
  }
  func.func @transform_2(%arg0: i32) -> (i32, i32) {
    %c0_i32 = arith.constant 0 : i32
    %c0_i32_0 = arith.constant 0 : i32
    return %arg0, %c0_i32 : i32, i32
  }
  func.func @transform_3(%arg0: i32) -> (i32, i32) {
    %c0_i32 = arith.constant 0 : i32
    %c0_i32_0 = arith.constant 0 : i32
    return %arg0, %c0_i32 : i32, i32
  }
  func.func @transform_4(%arg0: i32) -> (i32, i32) {
    %c0_i32 = arith.constant 0 : i32
    %c0_i32_0 = arith.constant 0 : i32
    return %arg0, %c0_i32 : i32, i32
  }
}

module attributes {stable_mosaic.version = 14 : i64} {
  func.func @_meta_body(%arg0: memref<8192x1xi32, #tpu.memory_space<vmem>>, %arg1: memref<8192x1xi32, #tpu.memory_space<vmem>>, %arg2: memref<48x1xi32, #tpu.memory_space<vmem>>) attributes {dimension_semantics = [], scalar_prefetch = 0 : i64, scratch_operands = 0 : i64, tpu.core_type = #tpu.core_type<tc>} {
    %iota3A = tpu.iota {dimensions = array<i32: 1>} : vector<8192x128xi32>
    %get3A = arith.constant 0 : index
    %get3A_0 = arith.constant 0 : index
    %get3A_1 = vector.load %arg0[%get3A, %get3A_0] : memref<8192x1xi32, #tpu.memory_space<vmem>>, vector<8192x1xi32>
    %eq3A = vector.broadcast %get3A_1 : vector<8192x1xi32> to vector<8192x128xi32>
    %eq3A_2 = arith.cmpi eq, %eq3A, %iota3A : vector<8192x128xi32>
    %convert_element_type3A = arith.extui %eq3A_2 : vector<8192x128xi1> to vector<8192x128xi32>
    %convert_element_type3A_3 = arith.sitofp %convert_element_type3A : vector<8192x128xi32> to vector<8192x128xf32>
    %reduce_sum3A = arith.constant dense<0.000000e+00> : vector<128xf32>
    %reduce_sum3A_4 = vector.multi_reduction <add>, %convert_element_type3A_3, %reduce_sum3A [0] : vector<8192x128xf32> to vector<128xf32>
    %broadcast_in_dim3A = vector.shape_cast %reduce_sum3A_4 : vector<128xf32> to vector<1x128xf32>
    %convert_element_type3A_5 = arith.fptosi %broadcast_in_dim3A : vector<1x128xf32> to vector<1x128xi32>
    %add3A = arith.constant 256 : i32
    %add3A_6 = vector.broadcast %add3A : i32 to vector<1x128xi32>
    %add3A_7 = arith.addi %convert_element_type3A_5, %add3A_6 : vector<1x128xi32>
    %sub3A = arith.constant 1 : i32
    %sub3A_8 = vector.broadcast %sub3A : i32 to vector<1x128xi32>
    %sub3A_9 = arith.subi %add3A_7, %sub3A_8 : vector<1x128xi32>
    %jit3A = arith.constant 256 : i32
    %div3A = vector.broadcast %jit3A : i32 to vector<1x128xi32>
    %div3A_10 = arith.divsi %sub3A_9, %div3A : vector<1x128xi32>
    %sign3A = arith.constant 0 : i32
    %sign3A_11 = vector.broadcast %sign3A : i32 to vector<1x128xi32>
    %sign3A_12 = arith.cmpi sgt, %sub3A_9, %sign3A_11 : vector<1x128xi32>
    %sign3A_13 = arith.extui %sign3A_12 : vector<1x128xi1> to vector<1x128xi32>
    %sign3A_14 = arith.constant 0 : i32
    %sign3A_15 = vector.broadcast %sign3A_14 : i32 to vector<1x128xi32>
    %sign3A_16 = arith.cmpi slt, %sub3A_9, %sign3A_15 : vector<1x128xi32>
    %sign3A_17 = arith.extui %sign3A_16 : vector<1x128xi1> to vector<1x128xi32>
    %sign3A_18 = arith.subi %sign3A_13, %sign3A_17 : vector<1x128xi32>
    %sign3A_19 = arith.constant 0 : i32
    %sign3A_20 = arith.cmpi sgt, %jit3A, %sign3A_19 : i32
    %sign3A_21 = arith.extui %sign3A_20 : i1 to i32
    %sign3A_22 = arith.constant 0 : i32
    %sign3A_23 = arith.cmpi slt, %jit3A, %sign3A_22 : i32
    %sign3A_24 = arith.extui %sign3A_23 : i1 to i32
    %sign3A_25 = arith.subi %sign3A_21, %sign3A_24 : i32
    %ne3A = vector.broadcast %sign3A_25 : i32 to vector<1x128xi32>
    %ne3A_26 = arith.cmpi ne, %sign3A_18, %ne3A : vector<1x128xi32>
    %rem3A = vector.broadcast %jit3A : i32 to vector<1x128xi32>
    %rem3A_27 = arith.remsi %sub3A_9, %rem3A : vector<1x128xi32>
    %ne3A_28 = arith.constant 0 : i32
    %ne3A_29 = vector.broadcast %ne3A_28 : i32 to vector<1x128xi32>
    %ne3A_30 = arith.cmpi ne, %rem3A_27, %ne3A_29 : vector<1x128xi32>
    %and3A = arith.andi %ne3A_26, %ne3A_30 : vector<1x128xi1>
    %sub3A_31 = arith.constant 1 : i32
    %sub3A_32 = vector.broadcast %sub3A_31 : i32 to vector<1x128xi32>
    %sub3A_33 = arith.subi %div3A_10, %sub3A_32 : vector<1x128xi32>
    %select_n3A = arith.select %and3A, %sub3A_33, %div3A_10 : vector<1x128xi1>, vector<1x128xi32>
    %mul3A = arith.constant 256 : i32
    %mul3A_34 = vector.broadcast %mul3A : i32 to vector<1x128xi32>
    %mul3A_35 = arith.muli %select_n3A, %mul3A_34 : vector<1x128xi32>
    %iota3A_36 = tpu.iota {dimensions = array<i32: 0>} : vector<128x128xi32>
    %iota3A_37 = tpu.iota {dimensions = array<i32: 1>} : vector<128x128xi32>
    %lt3A = arith.cmpi slt, %iota3A_36, %iota3A_37 : vector<128x128xi32>
    %convert_element_type3A_38 = arith.extui %lt3A : vector<128x128xi1> to vector<128x128xi32>
    %convert_element_type3A_39 = arith.sitofp %convert_element_type3A_38 : vector<128x128xi32> to vector<128x128xf32>
    %convert_element_type3A_40 = arith.sitofp %mul3A_35 : vector<1x128xi32> to vector<1x128xf32>
    %dot_general3A = arith.constant dense<0.000000e+00> : vector<1x128xf32>
    %dot_general3A_41 = tpu.matmul %convert_element_type3A_40, %convert_element_type3A_39, %dot_general3A {dimension_numbers = #tpu.dot_dimension_numbers<[1], [0], [0], [1], [0, 0, 1, 1], [], []>, transpose_lhs_hint = false} : vector<1x128xf32>, vector<128x128xf32>, vector<1x128xf32> -> vector<1x128xf32>
    %iota3A_42 = tpu.iota {dimensions = array<i32: 0>} : vector<48x128xi32>
    %mul3A_43 = arith.constant 256 : i32
    %mul3A_44 = vector.broadcast %mul3A_43 : i32 to vector<48x128xi32>
    %mul3A_45 = arith.muli %iota3A_42, %mul3A_44 : vector<48x128xi32>
    %iota3A_46 = tpu.iota {dimensions = array<i32: 1>} : vector<48x128xi32>
    %ge3A = arith.constant 1 : i32
    %ge3A_47 = vector.broadcast %ge3A : i32 to vector<48x128xi32>
    %ge3A_48 = arith.cmpi sge, %iota3A_46, %ge3A_47 : vector<48x128xi32>
    %lt3A_49 = arith.constant 16 : i32
    %lt3A_50 = vector.broadcast %lt3A_49 : i32 to vector<48x128xi32>
    %lt3A_51 = arith.cmpi slt, %iota3A_46, %lt3A_50 : vector<48x128xi32>
    %and3A_52 = arith.andi %ge3A_48, %lt3A_51 : vector<48x128xi1>
    %convert_element_type3A_53 = arith.fptosi %dot_general3A_41 : vector<1x128xf32> to vector<1x128xi32>
    %ge3A_54 = vector.broadcast %convert_element_type3A_53 : vector<1x128xi32> to vector<48x128xi32>
    %ge3A_55 = arith.cmpi sge, %mul3A_45, %ge3A_54 : vector<48x128xi32>
    %and3A_56 = arith.andi %ge3A_55, %and3A_52 : vector<48x128xi1>
    %convert_element_type3A_57 = arith.extui %and3A_56 : vector<48x128xi1> to vector<48x128xi32>
    %reduce_sum3A_58 = arith.constant dense<0> : vector<48xi32>
    %reduce_sum3A_59 = vector.multi_reduction <add>, %convert_element_type3A_57, %reduce_sum3A_58 [1] : vector<48x128xi32> to vector<48xi32>
    %broadcast_in_dim3A_60 = vector.shape_cast %reduce_sum3A_59 : vector<48xi32> to vector<48x1xi32>
    %min3A = arith.constant 15 : i32
    %min3A_61 = vector.broadcast %min3A : i32 to vector<48x1xi32>
    %min3A_62 = arith.minsi %broadcast_in_dim3A_60, %min3A_61 : vector<48x1xi32>
    %swap3A = arith.constant 0 : index
    %swap3A_63 = arith.constant 0 : index
    %swap3A_64 = vector.load %arg2[%swap3A, %swap3A_63] : memref<48x1xi32, #tpu.memory_space<vmem>>, vector<48x1xi32>
    tpu.vector_store %arg2[%swap3A, %swap3A_63], %min3A_62 {strides = array<i32>} : memref<48x1xi32, #tpu.memory_space<vmem>>, vector<48x1xi32>,
    %iota3A_65 = tpu.iota {dimensions = array<i32: 1>} : vector<1024x128xi32>
    %iota3A_66 = tpu.iota {dimensions = array<i32: 0>} : vector<1024x1024xi32>
    %iota3A_67 = tpu.iota {dimensions = array<i32: 1>} : vector<1024x1024xi32>
    %gt3A = arith.cmpi sgt, %iota3A_66, %iota3A_67 : vector<1024x1024xi32>
    %convert_element_type3A_68 = arith.extui %gt3A : vector<1024x1024xi1> to vector<1024x1024xi32>
    %convert_element_type3A_69 = arith.sitofp %convert_element_type3A_68 : vector<1024x1024xi32> to vector<1024x1024xf32>
    %broadcast_in_dim3A_70 = arith.constant 0.000000e+00 : f32
    %broadcast_in_dim3A_71 = vector.broadcast %broadcast_in_dim3A_70 : f32 to vector<1x128xf32>
    %scan3A = arith.constant 0 : i32
    %scan3A_72 = arith.constant 8 : i32
    %scan3A_73 = arith.addi %scan3A, %scan3A_72 : i32
    %scan3A_74 = arith.constant 1 : i32
    %scan3A_75 = scf.for %scan3A_77 = %scan3A to %scan3A_73 step %scan3A_74 iter_args(%scan3A_78 = %broadcast_in_dim3A_71) -> (vector<1x128xf32>)  : i32 {
      %mul3A_79 = arith.constant 1024 : i32
      %mul3A_80 = arith.muli %scan3A_77, %mul3A_79 : i32
      %get3A_81 = arith.index_cast %mul3A_80 : i32 to index
      %get3A_82 = arith.constant 0 : index
      %get3A_83 = vector.load %arg0[%get3A_81, %get3A_82] : memref<8192x1xi32, #tpu.memory_space<vmem>>, vector<1024x1xi32>
      %eq3A_84 = vector.broadcast %get3A_83 : vector<1024x1xi32> to vector<1024x128xi32>
      %eq3A_85 = arith.cmpi eq, %eq3A_84, %iota3A_65 : vector<1024x128xi32>
      %convert_element_type3A_86 = arith.extui %eq3A_85 : vector<1024x128xi1> to vector<1024x128xi32>
      %convert_element_type3A_87 = arith.sitofp %convert_element_type3A_86 : vector<1024x128xi32> to vector<1024x128xf32>
      %dot_general3A_88 = arith.constant dense<0.000000e+00> : vector<1024x128xf32>
      %dot_general3A_89 = tpu.matmul %convert_element_type3A_69, %convert_element_type3A_87, %dot_general3A_88 {dimension_numbers = #tpu.dot_dimension_numbers<[1], [0], [0], [1], [0, 0, 1, 1], [], []>, transpose_lhs_hint = false} : vector<1024x1024xf32>, vector<1024x128xf32>, vector<1024x128xf32> -> vector<1024x128xf32>
      %add3A_90 = vector.broadcast %scan3A_78 : vector<1x128xf32> to vector<1024x128xf32>
      %add3A_91 = arith.addf %dot_general3A_89, %add3A_90 : vector<1024x128xf32>
      %add3A_92 = vector.broadcast %dot_general3A_41 : vector<1x128xf32> to vector<1024x128xf32>
      %add3A_93 = arith.addf %add3A_91, %add3A_92 : vector<1024x128xf32>
      %mul3A_94 = arith.mulf %add3A_93, %convert_element_type3A_87 : vector<1024x128xf32>
      %reduce_sum3A_95 = arith.constant dense<0.000000e+00> : vector<1024xf32>
      %reduce_sum3A_96 = vector.multi_reduction <add>, %mul3A_94, %reduce_sum3A_95 [1] : vector<1024x128xf32> to vector<1024xf32>
      %broadcast_in_dim3A_97 = vector.shape_cast %reduce_sum3A_96 : vector<1024xf32> to vector<1024x1xf32>
      %convert_element_type3A_98 = arith.fptosi %broadcast_in_dim3A_97 : vector<1024x1xf32> to vector<1024x1xi32>
      %mul3A_99 = arith.constant 1024 : i32
      %mul3A_100 = arith.muli %scan3A_77, %mul3A_99 : i32
      %swap3A_101 = arith.index_cast %mul3A_100 : i32 to index
      %swap3A_102 = arith.constant 0 : index
      %swap3A_103 = vector.load %arg1[%swap3A_101, %swap3A_102] : memref<8192x1xi32, #tpu.memory_space<vmem>>, vector<1024x1xi32>
      tpu.vector_store %arg1[%swap3A_101, %swap3A_102], %convert_element_type3A_98 {strides = array<i32>} : memref<8192x1xi32, #tpu.memory_space<vmem>>, vector<1024x1xi32>,
      %reduce_sum3A_104 = arith.constant dense<0.000000e+00> : vector<128xf32>
      %reduce_sum3A_105 = vector.multi_reduction <add>, %convert_element_type3A_87, %reduce_sum3A_104 [0] : vector<1024x128xf32> to vector<128xf32>
      %broadcast_in_dim3A_106 = vector.shape_cast %reduce_sum3A_105 : vector<128xf32> to vector<1x128xf32>
      %add3A_107 = arith.addf %scan3A_78, %broadcast_in_dim3A_106 : vector<1x128xf32>
      scf.yield %add3A_107 : vector<1x128xf32>
    }
    %scan3A_76 = arith.constant 8 : i32
    return
  }
}

module attributes {stable_mosaic.version = 14 : i64} {
  func.func @_gmm_body(%arg0: i32, %arg1: memref<48xi32, #tpu.memory_space<smem>>, %arg2: memref<256x2048xf32, #tpu.memory_space<vmem>>, %arg3: memref<1x2048x768xf32, #tpu.memory_space<vmem>>, %arg4: memref<1x2048x768xf32, #tpu.memory_space<vmem>>, %arg5: memref<1x768x2048xf32, #tpu.memory_space<vmem>>, %arg6: memref<256x128xf32, #tpu.memory_space<vmem>>, %arg7: memref<256x2048xf32, #tpu.memory_space<vmem>>) attributes {dimension_semantics = [#tpu.dimension_semantics<arbitrary>], iteration_bounds = array<i64: 48>, scalar_prefetch = 1 : i64, scratch_operands = 0 : i64, tpu.core_type = #tpu.core_type<tc>, window_params = [{transform_indices = @transform_0, window_bounds = array<i64: 256, 2048>}, {transform_indices = @transform_1, window_bounds = array<i64: 1, 2048, 768>}, {transform_indices = @transform_2, window_bounds = array<i64: 1, 2048, 768>}, {transform_indices = @transform_3, window_bounds = array<i64: 1, 768, 2048>}, {transform_indices = @transform_4, window_bounds = array<i64: 256, 128>}, {transform_indices = @transform_5, window_bounds = array<i64: 256, 2048>}]} {
    %get3A = arith.constant 0 : index
    %get3A_0 = arith.constant 0 : index
    %get3A_1 = vector.load %arg2[%get3A, %get3A_0] : memref<256x2048xf32, #tpu.memory_space<vmem>>, vector<256x2048xf32>
    %convert_element_type3A = arith.truncf %get3A_1 : vector<256x2048xf32> to vector<256x2048xbf16>
    %get3A_2 = arith.constant 0 : index
    %get3A_3 = arith.constant 0 : index
    %get3A_4 = arith.constant 0 : index
    %get3A_5 = vector.load %arg4[%get3A_2, %get3A_3, %get3A_4] : memref<1x2048x768xf32, #tpu.memory_space<vmem>>, vector<1x2048x768xf32>
    %get3A_6 = vector.shape_cast %get3A_5 : vector<1x2048x768xf32> to vector<2048x768xf32>
    %convert_element_type3A_7 = arith.truncf %get3A_6 : vector<2048x768xf32> to vector<2048x768xbf16>
    %dot_general3A = arith.constant dense<0.000000e+00> : vector<256x768xf32>
    %dot_general3A_8 = tpu.matmul %convert_element_type3A, %convert_element_type3A_7, %dot_general3A {dimension_numbers = #tpu.dot_dimension_numbers<[1], [0], [0], [1], [0, 0, 1, 1], [], []>, transpose_lhs_hint = false} : vector<256x2048xbf16>, vector<2048x768xbf16>, vector<256x768xf32> -> vector<256x768xf32>
    %get3A_9 = arith.constant 0 : index
    %get3A_10 = arith.constant 0 : index
    %get3A_11 = arith.constant 0 : index
    %get3A_12 = vector.load %arg3[%get3A_9, %get3A_10, %get3A_11] : memref<1x2048x768xf32, #tpu.memory_space<vmem>>, vector<1x2048x768xf32>
    %get3A_13 = vector.shape_cast %get3A_12 : vector<1x2048x768xf32> to vector<2048x768xf32>
    %convert_element_type3A_14 = arith.truncf %get3A_13 : vector<2048x768xf32> to vector<2048x768xbf16>
    %dot_general3A_15 = arith.constant dense<0.000000e+00> : vector<256x768xf32>
    %dot_general3A_16 = tpu.matmul %convert_element_type3A, %convert_element_type3A_14, %dot_general3A_15 {dimension_numbers = #tpu.dot_dimension_numbers<[1], [0], [0], [1], [0, 0, 1, 1], [], []>, transpose_lhs_hint = false} : vector<256x2048xbf16>, vector<2048x768xbf16>, vector<256x768xf32> -> vector<256x768xf32>
    %logistic3A = arith.negf %dot_general3A_8 : vector<256x768xf32>
    %logistic3A_17 = math.exp %logistic3A : vector<256x768xf32>
    %logistic3A_18 = arith.constant 1.000000e+00 : f32
    %logistic3A_19 = vector.broadcast %logistic3A_18 : f32 to vector<256x768xf32>
    %logistic3A_20 = arith.addf %logistic3A_19, %logistic3A_17 : vector<256x768xf32>
    %logistic3A_21 = arith.divf %logistic3A_19, %logistic3A_20 : vector<256x768xf32>
    %mul3A = arith.mulf %dot_general3A_8, %logistic3A_21 : vector<256x768xf32>
    %mul3A_22 = arith.mulf %mul3A, %dot_general3A_16 : vector<256x768xf32>
    %convert_element_type3A_23 = arith.truncf %mul3A_22 : vector<256x768xf32> to vector<256x768xbf16>
    %get3A_24 = arith.constant 0 : index
    %get3A_25 = arith.constant 0 : index
    %get3A_26 = arith.constant 0 : index
    %get3A_27 = vector.load %arg5[%get3A_24, %get3A_25, %get3A_26] : memref<1x768x2048xf32, #tpu.memory_space<vmem>>, vector<1x768x2048xf32>
    %get3A_28 = vector.shape_cast %get3A_27 : vector<1x768x2048xf32> to vector<768x2048xf32>
    %convert_element_type3A_29 = arith.truncf %get3A_28 : vector<768x2048xf32> to vector<768x2048xbf16>
    %dot_general3A_30 = arith.constant dense<0.000000e+00> : vector<256x2048xf32>
    %dot_general3A_31 = tpu.matmul %convert_element_type3A_23, %convert_element_type3A_29, %dot_general3A_30 {dimension_numbers = #tpu.dot_dimension_numbers<[1], [0], [0], [1], [0, 0, 1, 1], [], []>, transpose_lhs_hint = false} : vector<256x768xbf16>, vector<768x2048xbf16>, vector<256x2048xf32> -> vector<256x2048xf32>
    %get3A_32 = arith.constant 0 : index
    %get3A_33 = arith.constant 0 : index
    %get3A_34 = vector.load %arg6[%get3A_32, %get3A_33] : memref<256x128xf32, #tpu.memory_space<vmem>>, vector<256x128xf32>
    %slice3A = vector.extract_strided_slice %get3A_34 {offsets = [0, 0], sizes = [256, 1], strides = [1, 1]} : vector<256x128xf32> to vector<256x1xf32>
    %mul3A_35 = vector.broadcast %slice3A : vector<256x1xf32> to vector<256x2048xf32>
    %mul3A_36 = arith.mulf %dot_general3A_31, %mul3A_35 : vector<256x2048xf32>
    %swap3A = arith.constant 0 : index
    %swap3A_37 = arith.constant 0 : index
    %swap3A_38 = vector.load %arg7[%swap3A, %swap3A_37] : memref<256x2048xf32, #tpu.memory_space<vmem>>, vector<256x2048xf32>
    tpu.vector_store %arg7[%swap3A, %swap3A_37], %mul3A_36 {strides = array<i32>} : memref<256x2048xf32, #tpu.memory_space<vmem>>, vector<256x2048xf32>,
    return
  }
  func.func @transform_0(%arg0: i32, %arg1: memref<48xi32, #tpu.memory_space<smem>>) -> (i32, i32) {
    %c0_i32 = arith.constant 0 : i32
    %c0_i32_0 = arith.constant 0 : i32
    return %arg0, %c0_i32 : i32, i32
  }
  func.func @transform_1(%arg0: i32, %arg1: memref<48xi32, #tpu.memory_space<smem>>) -> (i32, i32, i32) {
    %get3A = arith.index_cast %arg0 : i32 to index
    %get3A_0 = memref.load %arg1[%get3A] : memref<48xi32, #tpu.memory_space<smem>>
    %c0_i32 = arith.constant 0 : i32
    %c0_i32_1 = arith.constant 0 : i32
    %c0_i32_2 = arith.constant 0 : i32
    return %get3A_0, %c0_i32, %c0_i32_1 : i32, i32, i32
  }
  func.func @transform_2(%arg0: i32, %arg1: memref<48xi32, #tpu.memory_space<smem>>) -> (i32, i32, i32) {
    %get3A = arith.index_cast %arg0 : i32 to index
    %get3A_0 = memref.load %arg1[%get3A] : memref<48xi32, #tpu.memory_space<smem>>
    %c0_i32 = arith.constant 0 : i32
    %c0_i32_1 = arith.constant 0 : i32
    %c0_i32_2 = arith.constant 0 : i32
    return %get3A_0, %c0_i32, %c0_i32_1 : i32, i32, i32
  }
  func.func @transform_3(%arg0: i32, %arg1: memref<48xi32, #tpu.memory_space<smem>>) -> (i32, i32, i32) {
    %get3A = arith.index_cast %arg0 : i32 to index
    %get3A_0 = memref.load %arg1[%get3A] : memref<48xi32, #tpu.memory_space<smem>>
    %c0_i32 = arith.constant 0 : i32
    %c0_i32_1 = arith.constant 0 : i32
    %c0_i32_2 = arith.constant 0 : i32
    return %get3A_0, %c0_i32, %c0_i32_1 : i32, i32, i32
  }
  func.func @transform_4(%arg0: i32, %arg1: memref<48xi32, #tpu.memory_space<smem>>) -> (i32, i32) {
    %c0_i32 = arith.constant 0 : i32
    %c0_i32_0 = arith.constant 0 : i32
    return %arg0, %c0_i32 : i32, i32
  }
  func.func @transform_5(%arg0: i32, %arg1: memref<48xi32, #tpu.memory_space<smem>>) -> (i32, i32) {
    %c0_i32 = arith.constant 0 : i32
    %c0_i32_0 = arith.constant 0 : i32
    return %arg0, %c0_i32 : i32, i32
  }
}

</mosaic_0001>

<sc_bundles>
// kernel: kernel.10.cloned.1.call-start
scs
__scs_entry_jumppad:
0x0: {  	(pc) =	sbr.rel $0x88, $3  }
0x1: {  	(tag) =	ssettag $0x0;
	lr =	simm.s32 $0x1  }
0x2: {  	[smem:$0x3F9C] =	sst lr;
	_ =	strace $0xD0000000  }
0x3: {  	_ = 	snop  }
0x4: {  	_ = 	snop  }
0x5: {  	_ = 	snop  }
0x6: {  	_ = 	snop  }
0x7: {  	_ = 	snop  }
__scs_overlays_trampoline_lowered:
0x8: {  	[smem:$0x3FAB] =	sst s0  }
0x9: {  	[smem:$0x3FAC] =	sst s1  }
0xa: {  	[smem:$0x3FAD] =	sst s2  }
0xb: {  	[smem:$0x3FAE] =	sst s3  }
0xc: {  	[smem:$0x3FAF] =	sst s4  }
0xd: {  	[smem:$0x3FB0] =	sst s5  }
0xe: {  	[smem:$0x3FB1] =	sst s6  }
0xf: {  	[smem:$0x3FB2] =	sst s7  }
0x10: {  	[smem:$0x3FB3] =	sst s8  }
0x11: {  	[smem:$0x3FB4] =	sst s9;
	s0 =	simm.s32 @!p0 $0x0  }
0x12: {  	s1 =	sld [smem:$0x3F9A];
	s0 =	simm.s32 @p0 $0x1  }
0x13: {  	[smem:$0x3FB5] =	sst s0;
	s0 =	simm.s32 @!p1 $0x0  }
0x14: {  	s2 =	sld [smem:$0x3F99];
	s0 =	simm.s32 @p1 $0x1  }
0x15: {  	[smem:$0x3FB6] =	sst s0;
	s0 =	simm.s32 @!p2 $0x0  }
0x16: {  	s3 =	sld [smem:$0x3FDB];
	s0 =	simm.s32 @p2 $0x1  }
0x17: {  	s4 =	simm.s32 $0x1BF5;
	[smem:$0x3FB8] =	sst s0  }
0x18: {  	s0 =	sld [smem:$0x3F9B];
	_ =	swait.ge [sflag:s4], $0x0  }
0x19: {  	s7 =	sld [smem:$0x3F9C]  }
0x1a: {  	s8 =	sadd.s32 $0xFFFFE003, lr  }
0x1b: {  	s9 =	sadd.s32 $0xFFFFFEF7, lr;
	s5 =	simm.s32 $0xFFFFFFFF;
	p2 =	slt.u32 s8, $0xFFFFF086  }
0x1c: {  	p1 =	slt.u32 s9, $0xF7A;
	s5 =	simm.s32 @!p2 $0x0  }
0x1d: {  	s5 =	simm.s32 @p1 $0x1;
	p0 =	seq.s32 s7, s2  }
0x1e: {  	s7 =	smul.u32 @!p0 $0xF7A, s2;
	p2 =	seq.s32 @!p0 s5, $0x0  }
0x1f: {  	s9 =	smul.u32 $0xF7A, s1;
	s8 =	simm.s32 @!p0 $0x1BF5;
	p2 =	por !p2, p0  }
0x20: {  	[sflag:s8] =	ssyncset.s32 @!p0 $0xFFFFF086;
	s6 =	sadd.s32 @!p0 s3, s7;
	s7 =	simm.s32 @!p0 $0x108  }
0x21: {  	s3 =	sadd.s32 s3, s9;
	s6 =	sadd.s32 @!p0 $0x88, s6;
	s7 =	simm.s32 @p2 $0x1082  }
0x22: {  	[simem:s7], [sflag:s8] =	dma.local @!p0 [hbm:s6], $0xF7A  }
0x23: {  	s9 =	sor.u32 $0xD0000000, s2;
	s6 =	simm.s32 $0x108;
	_ =	swait.ge @!p0 [sflag:s8], $0x0  }
0x24: {  	s3 =	sadd.s32 $0x88, s3;
	s6 =	simm.s32 @!p1 $0x1082;
	[sflag:s4] =	ssyncset.s32 $0xFFFFF086  }
0x25: {  	[simem:s6], [sflag:s4] =	dma.local [hbm:s3], $0xF7A  }
0x26: {  	[smem:$0x3F9C] =	sst s1;
	(tag) =	ssettag s2;
	_ =	strace s9  }
0x27: {  	s1 =	sld [smem:$0x3FAC]  }
0x28: {  	s2 =	sld [smem:$0x3FAD]  }
0x29: {  	s4 =	sld [smem:$0x3FAF]  }
0x2a: {  	p0 =	seq.s32 s5, $0x0;
	s5 =	sld [smem:$0x3FB0]  }
0x2b: {  	s6 =	sld [smem:$0x3FB1]  }
0x2c: {  	s7 =	sld [smem:$0x3FB2]  }
0x2d: {  	s3 =	simm.s32 $0x108;
	s8 =	sld [smem:$0x3FB3]  }
0x2e: {  	s3 =	simm.s32 @!p0 $0x1082;
	s9 =	sld [smem:$0x3FB4]  }
0x2f: {  	lr =	sadd.s32 s0, s3;
	s0 =	sld [smem:$0x3FAB]  }
0x30: {  	s3 =	sld [smem:$0x3FAE]  }
0x31: {  	[smem:$0x3FB7] =	sst s10  }
0x32: {  	s10 =	sld [smem:$0x3FB5];
	_ =	sdelay $0x3  }
0x33: {  	p0 =	seq.s32 s10, $0x1;
	s10 =	sld [smem:$0x3FB7];
	_ =	sdelay $0x3  }
0x34: {  	[smem:$0x3FB7] =	sst s10  }
0x35: {  	s10 =	sld [smem:$0x3FB6];
	_ =	sdelay $0x3  }
0x36: {  	p1 =	seq.s32 s10, $0x1;
	s10 =	sld [smem:$0x3FB7];
	_ =	sdelay $0x3  }
0x37: {  	[smem:$0x3FB7] =	sst s10  }
0x38: {  	s10 =	sld [smem:$0x3FB8]  }
0x39: {  	_ = 	snop;
	(pc) =	sbr.ind lr, $3  }
0x3a: {  	_ = 	snop  }
0x3b: {  	_ = 	snop  }
0x3c: {  	p2 =	seq.s32 s10, $0x1;
	s10 =	sld [smem:$0x3FB7]  }
0x3d: {  	_ =	shalt  }
0x3e: {  	_ =	shalt  }
0x3f: {  	_ =	shalt  }
0x40: {  	_ =	shalt  }
0x41: {  	_ =	shalt  }
0x42: {  	_ =	shalt  }
0x43: {  	_ =	shalt  }
0x44: {  	_ =	shalt  }
0x45: {  	_ =	shalt  }
0x46: {  	_ =	shalt  }
0x47: {  	_ =	shalt  }
0x48: {  	_ =	shalt  }
0x49: {  	_ =	shalt  }
0x4a: {  	_ =	shalt  }
0x4b: {  	_ =	shalt  }
0x4c: {  	_ =	shalt  }
0x4d: {  	_ =	shalt  }
0x4e: {  	_ =	shalt  }
0x4f: {  	_ =	shalt  }
0x50: {  	_ =	shalt  }
0x51: {  	_ =	shalt  }
0x52: {  	_ =	shalt  }
0x53: {  	_ =	shalt  }
0x54: {  	_ =	shalt  }
0x55: {  	_ =	shalt  }
0x56: {  	_ =	shalt  }
0x57: {  	_ =	shalt  }
0x58: {  	_ =	shalt  }
0x59: {  	_ =	shalt  }
0x5a: {  	_ =	shalt  }
0x5b: {  	_ =	shalt  }
0x5c: {  	_ =	shalt  }
0x5d: {  	_ =	shalt  }
0x5e: {  	_ =	shalt  }
0x5f: {  	_ =	shalt  }
0x60: {  	_ =	shalt  }
0x61: {  	_ =	shalt  }
0x62: {  	_ =	shalt  }
0x63: {  	_ =	shalt  }
0x64: {  	_ =	shalt  }
0x65: {  	_ =	shalt  }
0x66: {  	_ =	shalt  }
0x67: {  	_ =	shalt  }
0x68: {  	_ =	shalt  }
0x69: {  	_ =	shalt  }
0x6a: {  	_ =	shalt  }
0x6b: {  	_ =	shalt  }
0x6c: {  	_ =	shalt  }
0x6d: {  	_ =	shalt  }
0x6e: {  	_ =	shalt  }
0x6f: {  	_ =	shalt  }
0x70: {  	_ =	shalt  }
0x71: {  	_ =	shalt  }
0x72: {  	_ =	shalt  }
0x73: {  	_ =	shalt  }
0x74: {  	_ =	shalt  }
0x75: {  	_ =	shalt  }
0x76: {  	_ =	shalt  }
0x77: {  	_ =	shalt  }
0x78: {  	_ =	shalt  }
0x79: {  	_ =	shalt  }
0x7a: {  	_ =	shalt  }
0x7b: {  	_ =	shalt  }
0x7c: {  	_ =	shalt  }
0x7d: {  	_ =	shalt  }
0x7e: {  	_ =	shalt  }
0x7f: {  	_ =	shalt  }
0x80: {  	_ =	shalt  }
0x81: {  	_ =	shalt  }
0x82: {  	_ =	shalt  }
0x83: {  	_ =	shalt  }
0x84: {  	_ =	shalt  }
0x85: {  	_ =	shalt  }
0x86: {  	_ =	shalt  }
0x87: {  	_ =	shalt  }
.Lfunc_end0:
.L_simem_size_0:
called_computation.1_lowered:
.L_overlay_start_0:
0x88: {  	s2 =	sld [smem:$0x3FD9]  }
0x89: {  	s3 =	sld [smem:$0x3FFE];
	_ =	sdelay $0x1  }
0x8a: {  	s1 =	srdreg.scid  }
0x8b: {  	s0 =	sand.u32 $0x1, s1  }
0x8c: {  	s14 =	sshll.u32 s0, $0xA;
	s2 =	sadd.s32 s3, s2  }
0x8d: {  	s2 =	sadd.s32 s2, s14  }
0x8e: {  	[smem:$0x3FC3] =	sst s2  }
0x8f: {  	_ = 	snop  }
0x90: {  	s2 =	sld [smem:$0x3FD0];
	_ =	sdelay $0x2  }
0x91: {  	s15 =	simm.s32 $0xA;
	s4 =	simm.s32 $0x10  }
0x92: {  	[smem:s4], [sflag:s15] =	dma.local [hbm:s2], $0x1  }
0x93: {  	_ =	swait.eq [sflag:s15], $0x1  }
0x94: {  	[sflag:s15] =	ssyncset.done $0x0  }
0x95: {  	[sflag:s15] =	ssyncadd.s32 $0xFFFFFFFF  }
0x96: {  	s16 =	sld [smem:$0x10];
	(tm) =	ssettm $0x1  }
0x97: {  	s17 =	sld [smem:$0x3FFB];
	_ =	sdelay $0x3  }
0x98: {  	_ =	strace s17  }
0x99: {  	s3 =	sld [smem:$0x3FFC];
	_ =	sdelay $0x3  }
0x9a: {  	_ =	strace s3  }
0x9b: {  	s3 =	sld [smem:$0x3FFD];
	_ =	sdelay $0x3  }
0x9c: {  	_ =	strace s3  }
0x9d: {  	_ =	strace $0x8FFFFFFF  }
0x9e: {  	s18 =	sld [smem:$0x3FDB];
	_ =	sdelay $0x1  }
0x9f: {  	s19 =	simm.s32 $_scs_section_size  }
0xa0: {  	s5 =	simm.s32 $_size__tile_overlayer_lowered;
	s6 =	simm.s32 $_tile_overlayer_lowered  }
0xa1: {  	s22 =	simm.s32 $0x1BFF;
	s21 =	sshll.u32 s6, $0x1;
	s3 =	sadd.s32 s19, s18  }
0xa2: {  	s7 =	simm.s32 $0x0;
	s20 =	sshll.u32 s5, $0x1;
	s5 =	sadd.s32 s21, s3  }
0xa3: {  	[timem:s7], [sflag:s22] =	dma.local [hbm:s5], s20  }
0xa4: {  	_ =	swait.ge [sflag:s22], s20  }
0xa5: {  	s4 =	ssub.s32 $0x0, s20;
	[sflag:s22] =	ssyncset.done $0x0  }
0xa6: {  	[sflag:s22] =	ssyncadd.s32 s4;
	_ =	sdelay $0x1  }
0xa7: {  	s23 =	simm.s32 $0x1B8B  }
0xa8: {  	_ =	swait.ge [sflag:s23], $0x1  }
0xa9: {  	[sflag:s23] =	ssyncset.done $0x0  }
0xaa: {  	s25 =	simm.s32 $0x1B8E;
	s24 =	sld [smem:$0x3FFE];
	[sflag:s23] =	ssyncadd.s32 $0xFFFFFFFF  }
0xab: {  	s26 =	simm.s32 $execute0_lowered;
	[smem:$0x3FD2] =	sst s25  }
0xac: {  	s5 =	sshll.u32 s26, $0x1;
	_ =	strace $0x80000049;
	[dreg:$0x1] =	wrdreg $0xFFFFFFFF  }
0xad: {  	s28 =	simm.s32 $_size_execute0_lowered;
	s3 =	sadd.s32 s3, s5;
	[dreg:$0x0] =	wrdreg $0x0  }
0xae: {  	s5 =	sshll.u32 s28, $0x1;
	[dreg:$0x2] =	wrdreg s3  }
0xaf: {  	[dreg:$0x3] =	wrdreg s5  }
0xb0: {  	[dreg:$0x4] =	wrdreg $0xC0  }
0xb1: {  	_ =	task [dreg:s7], $0x5FFFF  }
0xb2: {  	[dreg:$0x1] =	wrdreg $0xFFFFFFFF  }
0xb3: {  	[dreg:$0x0] =	wrdreg $0x60  }
0xb4: {  	[dreg:$0x2] =	wrdreg s24  }
0xb5: {  	[dreg:$0x3] =	wrdreg s16  }
0xb6: {  	[dreg:$0x4] =	wrdreg $0x9  }
0xb7: {  	_ =	task.clear_ibuf [dreg:s7], $0x5FFFF;
	_ =	strace $0x90000049  }
0xb8: {  	s29 =	simm.s32 $0x9;
	_ =	strace $0x8000004B  }
0xb9: {  	_ =	swait.ge [sflag:s29], $0x1  }
0xba: {  	[sflag:s29] =	ssyncadd.s32 $0xFFFFFFFF  }
0xbb: {  	_ =	strace $0x9000004B  }
0xbc: {  	_ =	sfence  }
0xbd: {  	s30 =	sld [smem:$0x0];
	_ =	sdelay $0x2  }
0xbe: {  	s31 =	sshll.u32 s1, $0xD;
	s1 =	sshrl.u32 s1, $0x2  }
0xbf: {  	s3 =	sand.u32 $0x4000, s31;
	s1 =	sadd.s32 s1, s30  }
0xc0: {  	s0 =	sor.u32 s3, s0;
	s1 =	sshll.u32 s1, $0x11  }
0xc1: {  	s0 =	sor.u32 s1, s0  }
0xc2: {  	s0 =	sadd.s32 $0x8F2B, s0  }
0xc3: {  	[sflag:s0] =	ssyncadd.remote.s32 $0x1  }
0xc4: {  	_ =	sfence.sel $0xFFFF  }
0xc5: {  	[dreg:$0x0] =	wrdreg $0xFFFFFFFF;
	(pc) =	sbr.abs _section_cstart, $3  }
0xc6: {  	[dreg:$0x1] =	wrdreg $0xFFFFFFFF  }
0xc7: {  	_ =	task.clear_ibuf [dreg:s7], $0x2FFFF;
	_ =	strace $0x9FFFFFFF  }
0xc8: {  	(tm) =	ssettm $0x7FFFFFFF  }
0xc9: {  	_ =	shalt  }
tec
execute0_lowered:
.L_overlay_start_1:
0x0: {  	(tag) =	ssettag $0x1  }
0x1: {  	s0 =	rddreg [dreg:$0x0];
	s2 =	simm.s32 $0x0;
	s1 =	srdreg.scid  }
0x2: {  	s7 =	stileid.u32;
	s16 =	simm.s32 $0x3;
	s18 =	simm.s32 $0x100  }
0x3: {  	s28 =	simm.s32 $0xD900;
	s29 =	simm.s32 $0xE100;
	s30 =	simm.s32 $0xE900  }
0x4: {  	s31 =	simm.s32 $0xF100;
	s15 =	simm.s32 $0x2;
	[smem:$0x7FF] =	sst s2  }
0x5: {  	s4 =	sadd.s32 $0x310600, s0;
	s5 =	sadd.s32 $0x10000, s0;
	s6 =	sadd.s32 $0x10200, s0  }
0x6: {  	s25 =	sshll.u32 s7, $0x8;
	s7 =	sadd.s32 $0x310700, s0;
	s8 =	sadd.s32 $0x310800, s0  }
0x7: {  	s1 =	sand.u32 $0x1, s1;
	s9 =	sadd.s32 $0x310900, s0;
	s10 =	sadd.s32 $0x310A00, s0  }
0x8: {  	s12 =	sadd.s32 $0x310B00, s0;
	s13 =	sadd.s32 $0x310C00, s0;
	s24 =	ssub.s32 $0x2, s1  }
0x9: {  	s14 =	sadd.s32 $0x310D00, s0;
	s0 =	simm.s32 $0xF900;
	s3 =	sshrl.u32 s24, $0x1  }
0xa: {  	v2 =	vlaneseq.u32;
	_ =	strace $0x8000004A;
	s1 =	sshll.u32 s1, $0x7;
	s2 =	ssub.s32 s24, s3  }
0xb: {  	vm0 =	vmmov $0xffff;
	v1 =	vshrl.u32 v2, $0x3;
	s11 =	sor.u32 s1, s25;
	s3 =	simm.s32 $0x1;
	s26 =	smax.u32 s2, $0x1  }
0xc: {  	v0 =	vand.u32 $0x7, v2;
	v2 =	vor.u32 $0x8, v2;
	v1 =	vmul.u32 $0x8, v1;
	s2 =	simm.s32 $0x0;
	[dreg:$0x3] =	wrdreg s26;
	s26 =	simm.s32 $0xD100  }
.LBB2_1:
0xd: {  	[dreg:$0x4] =	wrdreg s2;
	s1 =	simm.s32 $0x0  }
.LBB2_2:
0xe: {  	s2 =	sshll.u32 s1, $0x4  }
0xf: {  	s2 =	sadd.s32 s11, s2  }
0x10: {  	s19 =	sshrl.u32 s2, $0x3  }
0x11: {  	s17 =	simm.s32 $0x0;
	s20 =	sadd.s32 s5, s19  }
0x12: {  	[tilespmem:s17], [sflag:$0x3] =	stream.linear.gather [hbm4b:s20+s17], $0x10, $0x38;
	[tilespmem:$0x10100] =	vst v63  }
0x13: {  	_ =	swait.ge [sflag:s16], $0x10  }
0x14: {  	[sflag:s16] =	ssyncset.done $0x0  }
0x15: {  	s23 =	simm.s32 $0x80;
	s19 =	sadd.s32 s19, s6;
	[sflag:s16] =	ssyncadd.s32 $0xFFFFFFF0  }
0x16: {  	[tilespmem:s23], [sflag:$0x3] =	stream.linear.gather [hbm4b:s19+s17], $0x10, $0x38;
	[tilespmem:$0x10100] =	vst v63  }
0x17: {  	_ =	swait.ge [sflag:s16], $0x10  }
0x18: {  	[sflag:s16] =	ssyncset.done $0x0  }
0x19: {  	[sflag:s16] =	ssyncadd.s32 $0xFFFFFFF0  }
0x1a: {  	v3 =	vld [tilespmem:$0x0];
	_ =	sdelay $0x4  }
0x1b: {  	v4 =	vshll.u32 v3, $0x4  }
0x1c: {  	v3 =	vand.u32 $0x7, v3;
	v4 =	vand.u32 $0xFFFFFF80, v4  }
0x1d: {  	v3 =	vor.u32 v3, v4  }
0x1e: {  	v4 =	vperm.xlane v3, v0;
	_ =	sdelay $0x1  }
0x1f: {  	v4 =	vadd.s32 v1, v4;
	_ =	sdelay $0x4  }
0x20: {  	[tilespmem:s18], [sflag:$0x1] =	stream.indirect_vreg.gather [hbm4b:s4+s17], $0x80, v4, vm0, $0xb8;
	[tilespmem:$0x10100] =	vst v63  }
0x21: {  	s24 =	simm.s32 $0x900  }
0x22: {  	[tilespmem:s24], [sflag:$0x1] =	stream.indirect_vreg.gather [hbm4b:s7+s17], $0x80, v4, vm0, $0xb8;
	[tilespmem:$0x10100] =	vst v63  }
0x23: {  	s25 =	simm.s32 $0x1100  }
0x24: {  	[tilespmem:s25], [sflag:$0x1] =	stream.indirect_vreg.gather [hbm4b:s8+s17], $0x80, v4, vm0, $0xb8;
	[tilespmem:$0x10100] =	vst v63  }
0x25: {  	s20 =	simm.s32 $0x1900  }
0x26: {  	[tilespmem:s20], [sflag:$0x1] =	stream.indirect_vreg.gather [hbm4b:s9+s17], $0x80, v4, vm0, $0xb8;
	[tilespmem:$0x10100] =	vst v63  }
0x27: {  	s21 =	simm.s32 $0x2100  }
0x28: {  	[tilespmem:s21], [sflag:$0x1] =	stream.indirect_vreg.gather [hbm4b:s10+s17], $0x80, v4, vm0, $0xb8;
	[tilespmem:$0x10100] =	vst v63  }
0x29: {  	s22 =	simm.s32 $0x2900;
	v3 =	vperm.xlane v3, v2  }
0x2a: {  	[tilespmem:s22], [sflag:$0x1] =	stream.indirect_vreg.gather [hbm4b:s12+s17], $0x80, v4, vm0, $0xb8;
	[tilespmem:$0x10100] =	vst v63  }
0x2b: {  	s23 =	simm.s32 $0x3100;
	v3 =	vadd.s32 v1, v3  }
0x2c: {  	[tilespmem:s23], [sflag:$0x1] =	stream.indirect_vreg.gather [hbm4b:s13+s17], $0x80, v4, vm0, $0xb8;
	[tilespmem:$0x10100] =	vst v63  }
0x2d: {  	s24 =	simm.s32 $0x3900  }
0x2e: {  	[tilespmem:s24], [sflag:$0x1] =	stream.indirect_vreg.gather [hbm4b:s14+s17], $0x80, v4, vm0, $0xb8;
	[tilespmem:$0x10100] =	vst v63  }
0x2f: {  	s25 =	simm.s32 $0x4100  }
0x30: {  	[tilespmem:s25], [sflag:$0x1] =	stream.indirect_vreg.gather [hbm4b:s4+s17], $0x80, v3, vm0, $0xb8;
	[tilespmem:$0x10100] =	vst v63  }
0x31: {  	s20 =	simm.s32 $0x4900  }
0x32: {  	[tilespmem:s20], [sflag:$0x1] =	stream.indirect_vreg.gather [hbm4b:s7+s17], $0x80, v3, vm0, $0xb8;
	[tilespmem:$0x10100] =	vst v63  }
0x33: {  	s21 =	simm.s32 $0x5100  }
0x34: {  	[tilespmem:s21], [sflag:$0x1] =	stream.indirect_vreg.gather [hbm4b:s8+s17], $0x80, v3, vm0, $0xb8;
	[tilespmem:$0x10100] =	vst v63  }
0x35: {  	s22 =	simm.s32 $0x5900  }
0x36: {  	[tilespmem:s22], [sflag:$0x1] =	stream.indirect_vreg.gather [hbm4b:s9+s17], $0x80, v3, vm0, $0xb8;
	[tilespmem:$0x10100] =	vst v63  }
0x37: {  	s23 =	simm.s32 $0x6100  }
0x38: {  	[tilespmem:s23], [sflag:$0x1] =	stream.indirect_vreg.gather [hbm4b:s10+s17], $0x80, v3, vm0, $0xb8;
	[tilespmem:$0x10100] =	vst v63  }
0x39: {  	s24 =	simm.s32 $0x6900  }
0x3a: {  	[tilespmem:s24], [sflag:$0x1] =	stream.indirect_vreg.gather [hbm4b:s12+s17], $0x80, v3, vm0, $0xb8;
	[tilespmem:$0x10100] =	vst v63  }
0x3b: {  	s25 =	simm.s32 $0x7100  }
0x3c: {  	[tilespmem:s25], [sflag:$0x1] =	stream.indirect_vreg.gather [hbm4b:s13+s17], $0x80, v3, vm0, $0xb8;
	[tilespmem:$0x10100] =	vst v63  }
0x3d: {  	s20 =	simm.s32 $0x7900  }
0x3e: {  	[tilespmem:s20], [sflag:$0x1] =	stream.indirect_vreg.gather [hbm4b:s14+s17], $0x80, v3, vm0, $0xb8;
	[tilespmem:$0x10100] =	vst v63  }
0x3f: {  	v3 =	vld [tilespmem:$0x80];
	_ =	sdelay $0x4  }
0x40: {  	v4 =	vshll.u32 v3, $0x4  }
0x41: {  	v3 =	vand.u32 $0x7, v3;
	v4 =	vand.u32 $0xFFFFFF80, v4  }
0x42: {  	v3 =	vor.u32 v3, v4  }
0x43: {  	v4 =	vperm.xlane v3, v0;
	_ =	sdelay $0x1  }
0x44: {  	v4 =	vadd.s32 v1, v4;
	_ =	sdelay $0x3  }
0x45: {  	s21 =	simm.s32 $0x8100  }
0x46: {  	[tilespmem:s21], [sflag:$0x2] =	stream.indirect_vreg.gather [hbm4b:s4+s17], $0x80, v4, vm0, $0xb8;
	[tilespmem:$0x10100] =	vst v63  }
0x47: {  	s22 =	simm.s32 $0x8900  }
0x48: {  	[tilespmem:s22], [sflag:$0x2] =	stream.indirect_vreg.gather [hbm4b:s7+s17], $0x80, v4, vm0, $0xb8;
	[tilespmem:$0x10100] =	vst v63  }
0x49: {  	s23 =	simm.s32 $0x9100  }
0x4a: {  	[tilespmem:s23], [sflag:$0x2] =	stream.indirect_vreg.gather [hbm4b:s8+s17], $0x80, v4, vm0, $0xb8;
	[tilespmem:$0x10100] =	vst v63  }
0x4b: {  	s24 =	simm.s32 $0x9900  }
0x4c: {  	[tilespmem:s24], [sflag:$0x2] =	stream.indirect_vreg.gather [hbm4b:s9+s17], $0x80, v4, vm0, $0xb8;
	[tilespmem:$0x10100] =	vst v63  }
0x4d: {  	s25 =	simm.s32 $0xA100  }
0x4e: {  	[tilespmem:s25], [sflag:$0x2] =	stream.indirect_vreg.gather [hbm4b:s10+s17], $0x80, v4, vm0, $0xb8;
	[tilespmem:$0x10100] =	vst v63  }
0x4f: {  	s20 =	simm.s32 $0xA900;
	v3 =	vperm.xlane v3, v2  }
0x50: {  	[tilespmem:s20], [sflag:$0x2] =	stream.indirect_vreg.gather [hbm4b:s12+s17], $0x80, v4, vm0, $0xb8;
	[tilespmem:$0x10100] =	vst v63  }
0x51: {  	v3 =	vadd.s32 v1, v3;
	s21 =	simm.s32 $0xB100  }
0x52: {  	[tilespmem:s21], [sflag:$0x2] =	stream.indirect_vreg.gather [hbm4b:s13+s17], $0x80, v4, vm0, $0xb8;
	[tilespmem:$0x10100] =	vst v63  }
0x53: {  	s22 =	simm.s32 $0xB900  }
0x54: {  	[tilespmem:s22], [sflag:$0x2] =	stream.indirect_vreg.gather [hbm4b:s14+s17], $0x80, v4, vm0, $0xb8;
	[tilespmem:$0x10100] =	vst v63  }
0x55: {  	s23 =	simm.s32 $0xC100  }
0x56: {  	[tilespmem:s23], [sflag:$0x2] =	stream.indirect_vreg.gather [hbm4b:s4+s17], $0x80, v3, vm0, $0xb8;
	[tilespmem:$0x10100] =	vst v63  }
0x57: {  	s24 =	simm.s32 $0xC900  }
0x58: {  	[tilespmem:s24], [sflag:$0x2] =	stream.indirect_vreg.gather [hbm4b:s7+s17], $0x80, v3, vm0, $0xb8;
	[tilespmem:$0x10100] =	vst v63  }
0x59: {  	_ = 	snop  }
0x5a: {  	[tilespmem:s26], [sflag:$0x2] =	stream.indirect_vreg.gather [hbm4b:s8+s17], $0x80, v3, vm0, $0xb8;
	[tilespmem:$0x10100] =	vst v63  }
0x5b: {  	_ = 	snop  }
0x5c: {  	[tilespmem:s28], [sflag:$0x2] =	stream.indirect_vreg.gather [hbm4b:s9+s17], $0x80, v3, vm0, $0xb8;
	[tilespmem:$0x10100] =	vst v63  }
0x5d: {  	_ = 	snop  }
0x5e: {  	[tilespmem:s29], [sflag:$0x2] =	stream.indirect_vreg.gather [hbm4b:s10+s17], $0x80, v3, vm0, $0xb8;
	[tilespmem:$0x10100] =	vst v63  }
0x5f: {  	_ = 	snop  }
0x60: {  	[tilespmem:s30], [sflag:$0x2] =	stream.indirect_vreg.gather [hbm4b:s12+s17], $0x80, v3, vm0, $0xb8;
	[tilespmem:$0x10100] =	vst v63  }
0x61: {  	_ = 	snop  }
0x62: {  	[tilespmem:s31], [sflag:$0x2] =	stream.indirect_vreg.gather [hbm4b:s13+s17], $0x80, v3, vm0, $0xb8;
	[tilespmem:$0x10100] =	vst v63  }
0x63: {  	_ = 	snop  }
0x64: {  	[tilespmem:s0], [sflag:$0x2] =	stream.indirect_vreg.gather [hbm4b:s14+s17], $0x80, v3, vm0, $0xb8;
	[tilespmem:$0x10100] =	vst v63  }
0x65: {  	_ =	swait.ge [sflag:s3], $0x8000  }
0x66: {  	[sflag:s3] =	ssyncset.done $0x0  }
0x67: {  	[sflag:s3] =	ssyncadd.s32 $0xFFFF8000  }
0x68: {  	_ =	swait.ge [sflag:s15], $0x8000  }
0x69: {  	s19 =	sand.u32 $0x70, s17;
	s17 =	sand.u32 $0x3C00, s17;
	[sflag:s15] =	ssyncset.done $0x0  }
0x6a: {  	s21 =	sor.u32 s19, s17;
	[sflag:s15] =	ssyncadd.s32 $0xFFFF8000  }
0x6b: {  	v3 =	vld [tilespmem:s21+$0x8100]  }
0x6c: {  	v4 =	vld [tilespmem:s21+$0x100];
	_ =	sdelay $0x3  }
0x6d: {  	s25 =	simm.s32 $0x10;
	s22 =	simm.s32 $0x80  }
0x6e: {  	s20 =	sand.u32 $0x70, s25;
	s23 =	sand.u32 $0x3C00, s22;
	v3 =	vadd.f32 v3, v4  }
0x6f: {  	s24 =	sor.u32 s20, s23;
	s23 =	simm.s32 $0x20  }
.LBB2_3:
0x70: {  	p0 =	sne.s32 s23, $0x7F0;
	v4 =	vld [tilespmem:s24+$0x8100];
	[tilespmem:s21+$0x100] =	vst v3;
	s21 =	smov.u32 s24  }
0x71: {  	v3 =	vld [tilespmem:s21+$0x100];
	_ =	sdelay $0x1  }
.Ltmp0:
0x72: {  	(pc) =	sbr.rel @p0 .LBB2_3-.Ltmp0, $4  }
0x73: {  	_ = 	snop  }
0x74: {  	s22 =	sadd.s32 $0x80, s22  }
0x75: {  	s24 =	sand.u32 $0x70, s23;
	s25 =	sand.u32 $0x3C00, s22;
	v3 =	vadd.f32 v4, v3  }
0x76: {  	s23 =	sadd.s32 $0x10, s23;
	s24 =	sor.u32 s24, s25  }
0x77: {  	v4 =	vld [tilespmem:s24+$0x8100];
	[tilespmem:s21+$0x100] =	vst v3  }
0x78: {  	v3 =	vld [tilespmem:s24+$0x100];
	_ =	sdelay $0x4  }
0x79: {  	v3 =	vadd.f32 v4, v3;
	_ =	sdelay $0x1  }
0x7a: {  	s17 =	sor.u32 s17, s19;
	[tilespmem:s24+$0x100] =	vst v3  }
0x7b: {  	v3 =	vld [tilespmem:s17+$0x8180]  }
0x7c: {  	v4 =	vld [tilespmem:s17+$0x180];
	_ =	sdelay $0x3  }
0x7d: {  	s19 =	simm.s32 $0x80  }
0x7e: {  	s25 =	sand.u32 $0x3C00, s19;
	v3 =	vadd.f32 v3, v4  }
0x7f: {  	s21 =	sor.u32 s25, s20;
	s20 =	simm.s32 $0x20  }
.LBB2_5:
0x80: {  	p0 =	sne.s32 s20, $0x7F0;
	v4 =	vld [tilespmem:s21+$0x8180];
	[tilespmem:s17+$0x180] =	vst v3;
	s17 =	smov.u32 s21  }
0x81: {  	v3 =	vld [tilespmem:s17+$0x180];
	_ =	sdelay $0x1  }
.Ltmp1:
0x82: {  	(pc) =	sbr.rel @p0 .LBB2_5-.Ltmp1, $4  }
0x83: {  	_ = 	snop  }
0x84: {  	s19 =	sadd.s32 $0x80, s19  }
0x85: {  	s21 =	sand.u32 $0x70, s20;
	s22 =	sand.u32 $0x3C00, s19;
	v3 =	vadd.f32 v4, v3  }
0x86: {  	s20 =	sadd.s32 $0x10, s20;
	s21 =	sor.u32 s22, s21  }
0x87: {  	v4 =	vld [tilespmem:s21+$0x8180];
	[tilespmem:s17+$0x180] =	vst v3  }
0x88: {  	v3 =	vld [tilespmem:s21+$0x180];
	_ =	sdelay $0x4  }
0x89: {  	s23 =	simm.s32 $0x0;
	v3 =	vadd.f32 v4, v3  }
0x8a: {  	s19 =	sand.u32 $0x70, s23;
	s17 =	sand.u32 $0x3C00, s23  }
0x8b: {  	s17 =	sor.u32 s17, s19;
	[tilespmem:s21+$0x180] =	vst v3  }
0x8c: {  	v3 =	vld [tilespmem:s17+$0x8200]  }
0x8d: {  	v4 =	vld [tilespmem:s17+$0x200];
	_ =	sdelay $0x3  }
0x8e: {  	s24 =	simm.s32 $0x10;
	s20 =	simm.s32 $0x80  }
0x8f: {  	s25 =	sand.u32 $0x3C00, s20;
	s19 =	sand.u32 $0x70, s24;
	v3 =	vadd.f32 v3, v4  }
0x90: {  	s22 =	simm.s32 $0x20;
	s23 =	sor.u32 s25, s19;
	s21 =	smov.u32 s17  }
.LBB2_7:
0x91: {  	p0 =	sne.s32 s22, $0x7F0;
	v4 =	vld [tilespmem:s23+$0x8200];
	[tilespmem:s21+$0x200] =	vst v3;
	s21 =	smov.u32 s23  }
0x92: {  	v3 =	vld [tilespmem:s21+$0x200];
	_ =	sdelay $0x1  }
.Ltmp2:
0x93: {  	(pc) =	sbr.rel @p0 .LBB2_7-.Ltmp2, $4  }
0x94: {  	_ = 	snop  }
0x95: {  	s20 =	sadd.s32 $0x80, s20  }
0x96: {  	s23 =	sand.u32 $0x70, s22;
	s24 =	sand.u32 $0x3C00, s20;
	v3 =	vadd.f32 v4, v3  }
0x97: {  	s22 =	sadd.s32 $0x10, s22;
	s23 =	sor.u32 s24, s23  }
0x98: {  	v4 =	vld [tilespmem:s23+$0x8200];
	[tilespmem:s21+$0x200] =	vst v3  }
0x99: {  	v3 =	vld [tilespmem:s23+$0x200];
	_ =	sdelay $0x4  }
0x9a: {  	v3 =	vadd.f32 v4, v3;
	_ =	sdelay $0x1  }
0x9b: {  	[tilespmem:s23+$0x200] =	vst v3  }
0x9c: {  	v3 =	vld [tilespmem:s17+$0x8280]  }
0x9d: {  	v4 =	vld [tilespmem:s17+$0x280];
	_ =	sdelay $0x3  }
0x9e: {  	s20 =	simm.s32 $0x80  }
0x9f: {  	s25 =	sand.u32 $0x3C00, s20;
	v3 =	vadd.f32 v3, v4  }
0xa0: {  	s21 =	sor.u32 s25, s19;
	s19 =	simm.s32 $0x20  }
.LBB2_9:
0xa1: {  	p0 =	sne.s32 s19, $0x7F0;
	v4 =	vld [tilespmem:s21+$0x8280];
	[tilespmem:s17+$0x280] =	vst v3;
	s17 =	smov.u32 s21  }
0xa2: {  	v3 =	vld [tilespmem:s17+$0x280];
	_ =	sdelay $0x1  }
.Ltmp3:
0xa3: {  	(pc) =	sbr.rel @p0 .LBB2_9-.Ltmp3, $4  }
0xa4: {  	_ = 	snop  }
0xa5: {  	s20 =	sadd.s32 $0x80, s20  }
0xa6: {  	s21 =	sand.u32 $0x70, s19;
	s22 =	sand.u32 $0x3C00, s20;
	v3 =	vadd.f32 v4, v3  }
0xa7: {  	s19 =	sadd.s32 $0x10, s19;
	s21 =	sor.u32 s22, s21  }
0xa8: {  	v4 =	vld [tilespmem:s21+$0x8280];
	[tilespmem:s17+$0x280] =	vst v3  }
0xa9: {  	v3 =	vld [tilespmem:s21+$0x280];
	_ =	sdelay $0x4  }
0xaa: {  	s23 =	simm.s32 $0x0;
	v3 =	vadd.f32 v4, v3  }
0xab: {  	s19 =	sand.u32 $0x70, s23;
	s17 =	sand.u32 $0x3C00, s23  }
0xac: {  	s17 =	sor.u32 s17, s19;
	[tilespmem:s21+$0x280] =	vst v3  }
0xad: {  	v3 =	vld [tilespmem:s17+$0x8300]  }
0xae: {  	v4 =	vld [tilespmem:s17+$0x300];
	_ =	sdelay $0x3  }
0xaf: {  	s24 =	simm.s32 $0x10;
	s20 =	simm.s32 $0x80  }
0xb0: {  	s25 =	sand.u32 $0x3C00, s20;
	s19 =	sand.u32 $0x70, s24;
	v3 =	vadd.f32 v3, v4  }
0xb1: {  	s22 =	simm.s32 $0x20;
	s23 =	sor.u32 s25, s19;
	s21 =	smov.u32 s17  }
.LBB2_11:
0xb2: {  	p0 =	sne.s32 s22, $0x7F0;
	v4 =	vld [tilespmem:s23+$0x8300];
	[tilespmem:s21+$0x300] =	vst v3;
	s21 =	smov.u32 s23  }
0xb3: {  	v3 =	vld [tilespmem:s21+$0x300];
	_ =	sdelay $0x1  }
.Ltmp4:
0xb4: {  	(pc) =	sbr.rel @p0 .LBB2_11-.Ltmp4, $4  }
0xb5: {  	_ = 	snop  }
0xb6: {  	s20 =	sadd.s32 $0x80, s20  }
0xb7: {  	s23 =	sand.u32 $0x70, s22;
	s24 =	sand.u32 $0x3C00, s20;
	v3 =	vadd.f32 v4, v3  }
0xb8: {  	s22 =	sadd.s32 $0x10, s22;
	s23 =	sor.u32 s24, s23  }
0xb9: {  	v4 =	vld [tilespmem:s23+$0x8300];
	[tilespmem:s21+$0x300] =	vst v3  }
0xba: {  	v3 =	vld [tilespmem:s23+$0x300];
	_ =	sdelay $0x4  }
0xbb: {  	v3 =	vadd.f32 v4, v3;
	_ =	sdelay $0x1  }
0xbc: {  	[tilespmem:s23+$0x300] =	vst v3  }
0xbd: {  	v3 =	vld [tilespmem:s17+$0x8380]  }
0xbe: {  	v4 =	vld [tilespmem:s17+$0x380];
	_ =	sdelay $0x3  }
0xbf: {  	s20 =	simm.s32 $0x80  }
0xc0: {  	s25 =	sand.u32 $0x3C00, s20;
	v3 =	vadd.f32 v3, v4  }
0xc1: {  	s21 =	sor.u32 s25, s19;
	s19 =	simm.s32 $0x20  }
.LBB2_13:
0xc2: {  	p0 =	sne.s32 s19, $0x7F0;
	v4 =	vld [tilespmem:s21+$0x8380];
	[tilespmem:s17+$0x380] =	vst v3;
	s17 =	smov.u32 s21  }
0xc3: {  	v3 =	vld [tilespmem:s17+$0x380];
	_ =	sdelay $0x1  }
.Ltmp5:
0xc4: {  	(pc) =	sbr.rel @p0 .LBB2_13-.Ltmp5, $4  }
0xc5: {  	_ = 	snop  }
0xc6: {  	s20 =	sadd.s32 $0x80, s20  }
0xc7: {  	s21 =	sand.u32 $0x70, s19;
	s22 =	sand.u32 $0x3C00, s20;
	v3 =	vadd.f32 v4, v3  }
0xc8: {  	s19 =	sadd.s32 $0x10, s19;
	s21 =	sor.u32 s22, s21  }
0xc9: {  	v4 =	vld [tilespmem:s21+$0x8380];
	[tilespmem:s17+$0x380] =	vst v3  }
0xca: {  	v3 =	vld [tilespmem:s21+$0x380];
	_ =	sdelay $0x4  }
0xcb: {  	s17 =	simm.s32 $0x0;
	v3 =	vadd.f32 v4, v3  }
0xcc: {  	s19 =	sand.u32 $0x70, s17;
	s20 =	sand.u32 $0x3C00, s17  }
0xcd: {  	s19 =	sor.u32 s20, s19;
	[tilespmem:s21+$0x380] =	vst v3  }
0xce: {  	v3 =	vld [tilespmem:s19+$0x8400]  }
0xcf: {  	v4 =	vld [tilespmem:s19+$0x400];
	_ =	sdelay $0x3  }
0xd0: {  	s25 =	simm.s32 $0x10;
	s20 =	simm.s32 $0x80  }
0xd1: {  	s22 =	sand.u32 $0x3C00, s20;
	s21 =	sand.u32 $0x70, s25;
	v3 =	vadd.f32 v3, v4  }
0xd2: {  	s22 =	sor.u32 s22, s21;
	s21 =	simm.s32 $0x20  }
.LBB2_15:
0xd3: {  	p0 =	sne.s32 s21, $0x7F0;
	v4 =	vld [tilespmem:s22+$0x8400];
	[tilespmem:s19+$0x400] =	vst v3;
	s19 =	smov.u32 s22  }
0xd4: {  	v3 =	vld [tilespmem:s19+$0x400];
	_ =	sdelay $0x1  }
.Ltmp6:
0xd5: {  	(pc) =	sbr.rel @p0 .LBB2_15-.Ltmp6, $4  }
0xd6: {  	_ = 	snop  }
0xd7: {  	s20 =	sadd.s32 $0x80, s20  }
0xd8: {  	s22 =	sand.u32 $0x70, s21;
	s23 =	sand.u32 $0x3C00, s20;
	v3 =	vadd.f32 v4, v3  }
0xd9: {  	s21 =	sadd.s32 $0x10, s21;
	s22 =	sor.u32 s23, s22  }
0xda: {  	v4 =	vld [tilespmem:s22+$0x8400];
	[tilespmem:s19+$0x400] =	vst v3  }
0xdb: {  	v3 =	vld [tilespmem:s22+$0x400];
	_ =	sdelay $0x3  }
0xdc: {  	s17 =	sand.u32 $0x7, s17  }
0xdd: {  	s17 =	sshll.u32 s17, $0x4;
	v3 =	vadd.f32 v4, v3  }
0xde: {  	s17 =	sadd.s32 $0x0, s17  }
0xdf: {  	s17 =	sor.u32 $0x380, s17;
	[tilespmem:s22+$0x400] =	vst v3  }
0xe0: {  	v3 =	vld [tilespmem:s17+$0x8100]  }
0xe1: {  	v4 =	vld [tilespmem:s17+$0x100];
	_ =	sdelay $0x1  }
0xe2: {  	s19 =	simm.s32 $0x1  }
0xe3: {  	s20 =	sand.u32 $0x7, s19  }
0xe4: {  	s21 =	simm.s32 $0x20;
	s22 =	sshll.u32 s20, $0x4;
	s20 =	simm.s32 $0x80  }
.LBB2_17:
0xe5: {  	p0 =	sne.s32 s21, $0x7F0;
	s22 =	sadd.s32 s22, s20;
	v4 =	vadd.f32 v3, v4  }
0xe6: {  	s22 =	sor.u32 $0x380, s22  }
0xe7: {  	v3 =	vld [tilespmem:s22+$0x8100];
	[tilespmem:s17+$0x100] =	vst v4;
	s17 =	smov.u32 s22  }
.Ltmp7:
0xe8: {  	v4 =	vld [tilespmem:s17+$0x100];
	(pc) =	sbr.rel @p0 .LBB2_17-.Ltmp7, $4  }
0xe9: {  	_ = 	snop  }
0xea: {  	s19 =	sadd.s32 $0x1, s19  }
0xeb: {  	s22 =	sand.u32 $0x7, s19  }
0xec: {  	s21 =	sadd.s32 $0x10, s21;
	s20 =	sadd.s32 $0x80, s20;
	s22 =	sshll.u32 s22, $0x4  }
0xed: {  	s19 =	sadd.s32 s22, s20;
	v3 =	vadd.f32 v3, v4  }
0xee: {  	s19 =	sor.u32 $0x380, s19  }
0xef: {  	v4 =	vld [tilespmem:s19+$0x8100];
	[tilespmem:s17+$0x100] =	vst v3  }
0xf0: {  	v3 =	vld [tilespmem:s19+$0x100];
	_ =	sdelay $0x4  }
0xf1: {  	s23 =	simm.s32 $0x0;
	v3 =	vadd.f32 v4, v3  }
0xf2: {  	s24 =	sand.u32 $0x70, s23;
	s17 =	sand.u32 $0x3C00, s23  }
0xf3: {  	s17 =	sor.u32 s17, s24;
	[tilespmem:s19+$0x100] =	vst v3  }
0xf4: {  	v3 =	vld [tilespmem:s17+$0xC100]  }
0xf5: {  	v4 =	vld [tilespmem:s17+$0x4100];
	_ =	sdelay $0x3  }
0xf6: {  	s25 =	simm.s32 $0x10;
	s20 =	simm.s32 $0x80  }
0xf7: {  	s21 =	sand.u32 $0x3C00, s20;
	s19 =	sand.u32 $0x70, s25;
	v3 =	vadd.f32 v3, v4  }
0xf8: {  	s22 =	simm.s32 $0x20;
	s23 =	sor.u32 s21, s19;
	s21 =	smov.u32 s17  }
.LBB2_19:
0xf9: {  	p0 =	sne.s32 s22, $0x7F0;
	v4 =	vld [tilespmem:s23+$0xC100];
	[tilespmem:s21+$0x4100] =	vst v3;
	s21 =	smov.u32 s23  }
0xfa: {  	v3 =	vld [tilespmem:s21+$0x4100];
	_ =	sdelay $0x1  }
.Ltmp8:
0xfb: {  	(pc) =	sbr.rel @p0 .LBB2_19-.Ltmp8, $4  }
0xfc: {  	_ = 	snop  }
0xfd: {  	s20 =	sadd.s32 $0x80, s20  }
0xfe: {  	s23 =	sand.u32 $0x70, s22;
	s24 =	sand.u32 $0x3C00, s20;
	v3 =	vadd.f32 v4, v3  }
0xff: {  	s22 =	sadd.s32 $0x10, s22;
	s23 =	sor.u32 s24, s23  }
0x100: {  	v4 =	vld [tilespmem:s23+$0xC100];
	[tilespmem:s21+$0x4100] =	vst v3  }
0x101: {  	v3 =	vld [tilespmem:s23+$0x4100];
	_ =	sdelay $0x4  }
0x102: {  	v3 =	vadd.f32 v4, v3;
	_ =	sdelay $0x1  }
0x103: {  	[tilespmem:s23+$0x4100] =	vst v3  }
0x104: {  	v3 =	vld [tilespmem:s17+$0xC180]  }
0x105: {  	v4 =	vld [tilespmem:s17+$0x4180];
	_ =	sdelay $0x3  }
0x106: {  	s20 =	simm.s32 $0x80  }
0x107: {  	s25 =	sand.u32 $0x3C00, s20;
	v3 =	vadd.f32 v3, v4  }
0x108: {  	s21 =	sor.u32 s25, s19;
	s19 =	simm.s32 $0x20  }
.LBB2_21:
0x109: {  	p0 =	sne.s32 s19, $0x7F0;
	v4 =	vld [tilespmem:s21+$0xC180];
	[tilespmem:s17+$0x4180] =	vst v3;
	s17 =	smov.u32 s21  }
0x10a: {  	v3 =	vld [tilespmem:s17+$0x4180];
	_ =	sdelay $0x1  }
.Ltmp9:
0x10b: {  	(pc) =	sbr.rel @p0 .LBB2_21-.Ltmp9, $4  }
0x10c: {  	_ = 	snop  }
0x10d: {  	s20 =	sadd.s32 $0x80, s20  }
0x10e: {  	s21 =	sand.u32 $0x70, s19;
	s22 =	sand.u32 $0x3C00, s20;
	v3 =	vadd.f32 v4, v3  }
0x10f: {  	s19 =	sadd.s32 $0x10, s19;
	s21 =	sor.u32 s22, s21  }
0x110: {  	v4 =	vld [tilespmem:s21+$0xC180];
	[tilespmem:s17+$0x4180] =	vst v3  }
0x111: {  	v3 =	vld [tilespmem:s21+$0x4180];
	_ =	sdelay $0x4  }
0x112: {  	s23 =	simm.s32 $0x0;
	v3 =	vadd.f32 v4, v3  }
0x113: {  	s19 =	sand.u32 $0x70, s23;
	s17 =	sand.u32 $0x3C00, s23  }
0x114: {  	s17 =	sor.u32 s17, s19;
	[tilespmem:s21+$0x4180] =	vst v3  }
0x115: {  	v3 =	vld [tilespmem:s17+$0xC200]  }
0x116: {  	v4 =	vld [tilespmem:s17+$0x4200];
	_ =	sdelay $0x3  }
0x117: {  	s24 =	simm.s32 $0x10;
	s20 =	simm.s32 $0x80  }
0x118: {  	s25 =	sand.u32 $0x3C00, s20;
	s19 =	sand.u32 $0x70, s24;
	v3 =	vadd.f32 v3, v4  }
0x119: {  	s22 =	simm.s32 $0x20;
	s23 =	sor.u32 s25, s19;
	s21 =	smov.u32 s17  }
.LBB2_23:
0x11a: {  	p0 =	sne.s32 s22, $0x7F0;
	v4 =	vld [tilespmem:s23+$0xC200];
	[tilespmem:s21+$0x4200] =	vst v3;
	s21 =	smov.u32 s23  }
0x11b: {  	v3 =	vld [tilespmem:s21+$0x4200];
	_ =	sdelay $0x1  }
.Ltmp10:
0x11c: {  	(pc) =	sbr.rel @p0 .LBB2_23-.Ltmp10, $4  }
0x11d: {  	_ = 	snop  }
0x11e: {  	s20 =	sadd.s32 $0x80, s20  }
0x11f: {  	s23 =	sand.u32 $0x70, s22;
	s24 =	sand.u32 $0x3C00, s20;
	v3 =	vadd.f32 v4, v3  }
0x120: {  	s22 =	sadd.s32 $0x10, s22;
	s23 =	sor.u32 s24, s23  }
0x121: {  	v4 =	vld [tilespmem:s23+$0xC200];
	[tilespmem:s21+$0x4200] =	vst v3  }
0x122: {  	v3 =	vld [tilespmem:s23+$0x4200];
	_ =	sdelay $0x4  }
0x123: {  	v3 =	vadd.f32 v4, v3;
	_ =	sdelay $0x1  }
0x124: {  	[tilespmem:s23+$0x4200] =	vst v3  }
0x125: {  	v3 =	vld [tilespmem:s17+$0xC280]  }
0x126: {  	v4 =	vld [tilespmem:s17+$0x4280];
	_ =	sdelay $0x3  }
0x127: {  	s20 =	simm.s32 $0x80  }
0x128: {  	s25 =	sand.u32 $0x3C00, s20;
	v3 =	vadd.f32 v3, v4  }
0x129: {  	s21 =	sor.u32 s25, s19;
	s19 =	simm.s32 $0x20  }
.LBB2_25:
0x12a: {  	p0 =	sne.s32 s19, $0x7F0;
	v4 =	vld [tilespmem:s21+$0xC280];
	[tilespmem:s17+$0x4280] =	vst v3;
	s17 =	smov.u32 s21  }
0x12b: {  	v3 =	vld [tilespmem:s17+$0x4280];
	_ =	sdelay $0x1  }
.Ltmp11:
0x12c: {  	(pc) =	sbr.rel @p0 .LBB2_25-.Ltmp11, $4  }
0x12d: {  	_ = 	snop  }
0x12e: {  	s20 =	sadd.s32 $0x80, s20  }
0x12f: {  	s21 =	sand.u32 $0x70, s19;
	s22 =	sand.u32 $0x3C00, s20;
	v3 =	vadd.f32 v4, v3  }
0x130: {  	s19 =	sadd.s32 $0x10, s19;
	s21 =	sor.u32 s22, s21  }
0x131: {  	v4 =	vld [tilespmem:s21+$0xC280];
	[tilespmem:s17+$0x4280] =	vst v3  }
0x132: {  	v3 =	vld [tilespmem:s21+$0x4280];
	_ =	sdelay $0x4  }
0x133: {  	s23 =	simm.s32 $0x0;
	v3 =	vadd.f32 v4, v3  }
0x134: {  	s19 =	sand.u32 $0x70, s23;
	s17 =	sand.u32 $0x3C00, s23  }
0x135: {  	s17 =	sor.u32 s17, s19;
	[tilespmem:s21+$0x4280] =	vst v3  }
0x136: {  	v3 =	vld [tilespmem:s17+$0xC300]  }
0x137: {  	v4 =	vld [tilespmem:s17+$0x4300];
	_ =	sdelay $0x3  }
0x138: {  	s24 =	simm.s32 $0x10;
	s20 =	simm.s32 $0x80  }
0x139: {  	s25 =	sand.u32 $0x3C00, s20;
	s19 =	sand.u32 $0x70, s24;
	v3 =	vadd.f32 v3, v4  }
0x13a: {  	s22 =	simm.s32 $0x20;
	s23 =	sor.u32 s25, s19;
	s21 =	smov.u32 s17  }
.LBB2_27:
0x13b: {  	p0 =	sne.s32 s22, $0x7F0;
	v4 =	vld [tilespmem:s23+$0xC300];
	[tilespmem:s21+$0x4300] =	vst v3;
	s21 =	smov.u32 s23  }
0x13c: {  	v3 =	vld [tilespmem:s21+$0x4300];
	_ =	sdelay $0x1  }
.Ltmp12:
0x13d: {  	(pc) =	sbr.rel @p0 .LBB2_27-.Ltmp12, $4  }
0x13e: {  	_ = 	snop  }
0x13f: {  	s20 =	sadd.s32 $0x80, s20  }
0x140: {  	s23 =	sand.u32 $0x70, s22;
	s24 =	sand.u32 $0x3C00, s20;
	v3 =	vadd.f32 v4, v3  }
0x141: {  	s22 =	sadd.s32 $0x10, s22;
	s23 =	sor.u32 s24, s23  }
0x142: {  	v4 =	vld [tilespmem:s23+$0xC300];
	[tilespmem:s21+$0x4300] =	vst v3  }
0x143: {  	v3 =	vld [tilespmem:s23+$0x4300];
	_ =	sdelay $0x4  }
0x144: {  	v3 =	vadd.f32 v4, v3;
	_ =	sdelay $0x1  }
0x145: {  	[tilespmem:s23+$0x4300] =	vst v3  }
0x146: {  	v3 =	vld [tilespmem:s17+$0xC380]  }
0x147: {  	v4 =	vld [tilespmem:s17+$0x4380];
	_ =	sdelay $0x3  }
0x148: {  	s20 =	simm.s32 $0x80  }
0x149: {  	s25 =	sand.u32 $0x3C00, s20;
	v3 =	vadd.f32 v3, v4  }
0x14a: {  	s21 =	sor.u32 s25, s19;
	s19 =	simm.s32 $0x20  }
.LBB2_29:
0x14b: {  	p0 =	sne.s32 s19, $0x7F0;
	v4 =	vld [tilespmem:s21+$0xC380];
	[tilespmem:s17+$0x4380] =	vst v3;
	s17 =	smov.u32 s21  }
0x14c: {  	v3 =	vld [tilespmem:s17+$0x4380];
	_ =	sdelay $0x1  }
.Ltmp13:
0x14d: {  	(pc) =	sbr.rel @p0 .LBB2_29-.Ltmp13, $4  }
0x14e: {  	_ = 	snop  }
0x14f: {  	s20 =	sadd.s32 $0x80, s20  }
0x150: {  	s21 =	sand.u32 $0x70, s19;
	s22 =	sand.u32 $0x3C00, s20;
	v3 =	vadd.f32 v4, v3  }
0x151: {  	s19 =	sadd.s32 $0x10, s19;
	s21 =	sor.u32 s22, s21  }
0x152: {  	v4 =	vld [tilespmem:s21+$0xC380];
	[tilespmem:s17+$0x4380] =	vst v3  }
0x153: {  	v3 =	vld [tilespmem:s21+$0x4380];
	_ =	sdelay $0x4  }
0x154: {  	s17 =	simm.s32 $0x0;
	v3 =	vadd.f32 v4, v3  }
0x155: {  	s19 =	sand.u32 $0x70, s17;
	s20 =	sand.u32 $0x3C00, s17  }
0x156: {  	s19 =	sor.u32 s20, s19;
	[tilespmem:s21+$0x4380] =	vst v3  }
0x157: {  	v3 =	vld [tilespmem:s19+$0xC400]  }
0x158: {  	v4 =	vld [tilespmem:s19+$0x4400];
	_ =	sdelay $0x3  }
0x159: {  	s25 =	simm.s32 $0x10;
	s20 =	simm.s32 $0x80  }
0x15a: {  	s22 =	sand.u32 $0x3C00, s20;
	s21 =	sand.u32 $0x70, s25;
	v3 =	vadd.f32 v3, v4  }
0x15b: {  	s22 =	sor.u32 s22, s21;
	s21 =	simm.s32 $0x20  }
.LBB2_31:
0x15c: {  	p0 =	sne.s32 s21, $0x7F0;
	v4 =	vld [tilespmem:s22+$0xC400];
	[tilespmem:s19+$0x4400] =	vst v3;
	s19 =	smov.u32 s22  }
0x15d: {  	v3 =	vld [tilespmem:s19+$0x4400];
	_ =	sdelay $0x1  }
.Ltmp14:
0x15e: {  	(pc) =	sbr.rel @p0 .LBB2_31-.Ltmp14, $4  }
0x15f: {  	_ = 	snop  }
0x160: {  	s20 =	sadd.s32 $0x80, s20  }
0x161: {  	s22 =	sand.u32 $0x70, s21;
	s23 =	sand.u32 $0x3C00, s20;
	v3 =	vadd.f32 v4, v3  }
0x162: {  	s21 =	sadd.s32 $0x10, s21;
	s22 =	sor.u32 s23, s22  }
0x163: {  	v4 =	vld [tilespmem:s22+$0xC400];
	[tilespmem:s19+$0x4400] =	vst v3  }
0x164: {  	v3 =	vld [tilespmem:s22+$0x4400];
	_ =	sdelay $0x3  }
0x165: {  	s17 =	sand.u32 $0x7, s17  }
0x166: {  	s17 =	sshll.u32 s17, $0x4;
	v3 =	vadd.f32 v4, v3  }
0x167: {  	s17 =	sadd.s32 $0x0, s17  }
0x168: {  	s17 =	sor.u32 $0x4380, s17;
	[tilespmem:s22+$0x4400] =	vst v3  }
0x169: {  	v3 =	vld [tilespmem:s17+$0x8100]  }
0x16a: {  	v4 =	vld [tilespmem:s17+$0x100];
	_ =	sdelay $0x1  }
0x16b: {  	s19 =	simm.s32 $0x1  }
0x16c: {  	s20 =	sand.u32 $0x7, s19  }
0x16d: {  	s21 =	simm.s32 $0x20;
	s22 =	sshll.u32 s20, $0x4;
	s20 =	simm.s32 $0x80  }
.LBB2_33:
0x16e: {  	p0 =	sne.s32 s21, $0x7F0;
	s22 =	sadd.s32 s22, s20;
	v4 =	vadd.f32 v3, v4  }
0x16f: {  	s22 =	sor.u32 $0x4380, s22  }
0x170: {  	v3 =	vld [tilespmem:s22+$0x8100];
	[tilespmem:s17+$0x100] =	vst v4;
	s17 =	smov.u32 s22  }
.Ltmp15:
0x171: {  	v4 =	vld [tilespmem:s17+$0x100];
	(pc) =	sbr.rel @p0 .LBB2_33-.Ltmp15, $4  }
0x172: {  	_ = 	snop  }
0x173: {  	s19 =	sadd.s32 $0x1, s19  }
0x174: {  	s22 =	sand.u32 $0x7, s19  }
0x175: {  	s21 =	sadd.s32 $0x10, s21;
	s20 =	sadd.s32 $0x80, s20;
	s22 =	sshll.u32 s22, $0x4  }
0x176: {  	s19 =	sadd.s32 s22, s20;
	v3 =	vadd.f32 v3, v4  }
0x177: {  	s19 =	sor.u32 $0x4380, s19  }
0x178: {  	v63 =	vld [tilespmem:s19+$0x8100];
	[tilespmem:s17+$0x100] =	vst v3  }
0x179: {  	v3 =	vld [tilespmem:s19+$0x100];
	_ =	sdelay $0x4  }
0x17a: {  	s1 =	sadd.s32 $0x1, s1;
	v3 =	vadd.f32 v63, v3  }
0x17b: {  	s2 =	sshll.u32 s2, $0x8;
	s24 =	rddreg [dreg:$0x1];
	p0 =	sne.s32 s1, $0x8  }
.Ltmp16:
0x17c: {  	s25 =	simm.s32 $0x0;
	s2 =	sadd.s32 s24, s2;
	[tilespmem:s19+$0x100] =	vst v3;
	(pc) =	sbr.rel @p0 .LBB2_2-.Ltmp16, $4  }
0x17d: {  	[hbm4b:s2+s25] =	stream.linear.scatter [tilespmem:s18], [sflag:$0x3], $0x8000, $0x38;
	[tilespmem:$0x10100] =	vst v63  }
0x17e: {  	_ =	swait.ge [sflag:s16], $0x8000  }
0x17f: {  	[sflag:s16] =	ssyncset.done $0x0  }
0x180: {  	[sflag:s16] =	ssyncadd.s32 $0xFFFF8000  }
0x181: {  	s2 =	rddreg [dreg:$0x4]  }
0x182: {  	s1 =	rddreg [dreg:$0x3];
	s2 =	sadd.s32 $0x1, s2  }
0x183: {  	p0 =	sne.s32 s2, s1  }
.Ltmp17:
0x184: {  	_ = 	snop;
	(pc) =	sbr.rel @p0 .LBB2_1-.Ltmp17, $1  }
0x185: {  	_ =	sdelay $0x3  }
0x186: {  	_ =	sfence.sel $0x180000  }
0x187: {  	[bflag:$0x0] =	sbarrier.arrive $0xFFFF  }
0x188: {  	_ =	strace $0x9000004A  }
0x189: {  	s0 =	stileid.u32;
	[bflag:$0x2] =	sbarrier.arrive $0xFFFF  }
0x18a: {  	p0 =	sne.s32 s0, $0x0;
	s0 =	rddreg [dreg:$0x2]  }
0x18b: {  	s0 =	sadd.s32 @!p0 $0x100000, s0  }
0x18c: {  	[sflag:s0] =	ssyncadd.tile.s32 @!p0 $0x1;
	_ =	shalt  }
.Lfunc_end2:
_tile_overlayer_lowered:
.L_overlay_start_2:
0x18d: {  	(tag) =	ssettag $0x2  }
0x18e: {  	s0 =	rddreg [dreg:$0x0];
	s2 =	stileid.u32  }
0x18f: {  	s1 =	rddreg [dreg:$0x1];
	p0 =	sne.s32 s2, $0x0  }
0x190: {  	s3 =	rddreg [dreg:$0x2];
	[bflag:$0x3] =	sbarrier.arrive $0xFFFF;
	s2 =	simm.s32 @!p0 $0x1C03  }
0x191: {  	[timem:s3], [sflag:s2] =	dma.local @!p0 [hbm:s0], s1  }
0x192: {  	s0 =	simm.s32 @!p0 $0x3  }
0x193: {  	_ =	swait.ge @!p0 [sflag:s0], s1  }
0x194: {  	s1 =	ssub.s32 @!p0 $0x0, s1;
	[sflag:s0] =	ssyncset.done @!p0 $0x0  }
0x195: {  	[sflag:s0] =	ssyncadd.s32 @!p0 s1  }
0x196: {  	[bflag:$0x3] =	sbarrier.arrive $0xFFFF  }
0x197: {  	_ =	shalt  }

// kernel: kernel.7.cloned.1.call-start
scs
__scs_entry_jumppad:
0x0: {  	(pc) =	sbr.rel $0x88, $3  }
0x1: {  	(tag) =	ssettag $0x0;
	lr =	simm.s32 $0x1  }
0x2: {  	[smem:$0x3F9C] =	sst lr;
	_ =	strace $0xD0000000  }
0x3: {  	_ = 	snop  }
0x4: {  	_ = 	snop  }
0x5: {  	_ = 	snop  }
0x6: {  	_ = 	snop  }
0x7: {  	_ = 	snop  }
__scs_overlays_trampoline_lowered:
0x8: {  	[smem:$0x3FAB] =	sst s0  }
0x9: {  	[smem:$0x3FAC] =	sst s1  }
0xa: {  	[smem:$0x3FAD] =	sst s2  }
0xb: {  	[smem:$0x3FAE] =	sst s3  }
0xc: {  	[smem:$0x3FAF] =	sst s4  }
0xd: {  	[smem:$0x3FB0] =	sst s5  }
0xe: {  	[smem:$0x3FB1] =	sst s6  }
0xf: {  	[smem:$0x3FB2] =	sst s7  }
0x10: {  	[smem:$0x3FB3] =	sst s8  }
0x11: {  	[smem:$0x3FB4] =	sst s9;
	s0 =	simm.s32 @!p0 $0x0  }
0x12: {  	s1 =	sld [smem:$0x3F9A];
	s0 =	simm.s32 @p0 $0x1  }
0x13: {  	[smem:$0x3FB5] =	sst s0;
	s0 =	simm.s32 @!p1 $0x0  }
0x14: {  	s2 =	sld [smem:$0x3F99];
	s0 =	simm.s32 @p1 $0x1  }
0x15: {  	[smem:$0x3FB6] =	sst s0;
	s0 =	simm.s32 @!p2 $0x0  }
0x16: {  	s3 =	sld [smem:$0x3FDB];
	s0 =	simm.s32 @p2 $0x1  }
0x17: {  	s4 =	simm.s32 $0x1BF5;
	[smem:$0x3FB8] =	sst s0  }
0x18: {  	s0 =	sld [smem:$0x3F9B];
	_ =	swait.ge [sflag:s4], $0x0  }
0x19: {  	s7 =	sld [smem:$0x3F9C]  }
0x1a: {  	s8 =	sadd.s32 $0xFFFFE003, lr  }
0x1b: {  	s9 =	sadd.s32 $0xFFFFFEF7, lr;
	s5 =	simm.s32 $0xFFFFFFFF;
	p2 =	slt.u32 s8, $0xFFFFF086  }
0x1c: {  	p1 =	slt.u32 s9, $0xF7A;
	s5 =	simm.s32 @!p2 $0x0  }
0x1d: {  	s5 =	simm.s32 @p1 $0x1;
	p0 =	seq.s32 s7, s2  }
0x1e: {  	s7 =	smul.u32 @!p0 $0xF7A, s2;
	p2 =	seq.s32 @!p0 s5, $0x0  }
0x1f: {  	s9 =	smul.u32 $0xF7A, s1;
	s8 =	simm.s32 @!p0 $0x1BF5;
	p2 =	por !p2, p0  }
0x20: {  	[sflag:s8] =	ssyncset.s32 @!p0 $0xFFFFF086;
	s6 =	sadd.s32 @!p0 s3, s7;
	s7 =	simm.s32 @!p0 $0x108  }
0x21: {  	s3 =	sadd.s32 s3, s9;
	s6 =	sadd.s32 @!p0 $0x88, s6;
	s7 =	simm.s32 @p2 $0x1082  }
0x22: {  	[simem:s7], [sflag:s8] =	dma.local @!p0 [hbm:s6], $0xF7A  }
0x23: {  	s9 =	sor.u32 $0xD0000000, s2;
	s6 =	simm.s32 $0x108;
	_ =	swait.ge @!p0 [sflag:s8], $0x0  }
0x24: {  	s3 =	sadd.s32 $0x88, s3;
	s6 =	simm.s32 @!p1 $0x1082;
	[sflag:s4] =	ssyncset.s32 $0xFFFFF086  }
0x25: {  	[simem:s6], [sflag:s4] =	dma.local [hbm:s3], $0xF7A  }
0x26: {  	[smem:$0x3F9C] =	sst s1;
	(tag) =	ssettag s2;
	_ =	strace s9  }
0x27: {  	s1 =	sld [smem:$0x3FAC]  }
0x28: {  	s2 =	sld [smem:$0x3FAD]  }
0x29: {  	s4 =	sld [smem:$0x3FAF]  }
0x2a: {  	p0 =	seq.s32 s5, $0x0;
	s5 =	sld [smem:$0x3FB0]  }
0x2b: {  	s6 =	sld [smem:$0x3FB1]  }
0x2c: {  	s7 =	sld [smem:$0x3FB2]  }
0x2d: {  	s3 =	simm.s32 $0x108;
	s8 =	sld [smem:$0x3FB3]  }
0x2e: {  	s3 =	simm.s32 @!p0 $0x1082;
	s9 =	sld [smem:$0x3FB4]  }
0x2f: {  	lr =	sadd.s32 s0, s3;
	s0 =	sld [smem:$0x3FAB]  }
0x30: {  	s3 =	sld [smem:$0x3FAE]  }
0x31: {  	[smem:$0x3FB7] =	sst s10  }
0x32: {  	s10 =	sld [smem:$0x3FB5];
	_ =	sdelay $0x3  }
0x33: {  	p0 =	seq.s32 s10, $0x1;
	s10 =	sld [smem:$0x3FB7];
	_ =	sdelay $0x3  }
0x34: {  	[smem:$0x3FB7] =	sst s10  }
0x35: {  	s10 =	sld [smem:$0x3FB6];
	_ =	sdelay $0x3  }
0x36: {  	p1 =	seq.s32 s10, $0x1;
	s10 =	sld [smem:$0x3FB7];
	_ =	sdelay $0x3  }
0x37: {  	[smem:$0x3FB7] =	sst s10  }
0x38: {  	s10 =	sld [smem:$0x3FB8]  }
0x39: {  	_ = 	snop;
	(pc) =	sbr.ind lr, $3  }
0x3a: {  	_ = 	snop  }
0x3b: {  	_ = 	snop  }
0x3c: {  	p2 =	seq.s32 s10, $0x1;
	s10 =	sld [smem:$0x3FB7]  }
0x3d: {  	_ =	shalt  }
0x3e: {  	_ =	shalt  }
0x3f: {  	_ =	shalt  }
0x40: {  	_ =	shalt  }
0x41: {  	_ =	shalt  }
0x42: {  	_ =	shalt  }
0x43: {  	_ =	shalt  }
0x44: {  	_ =	shalt  }
0x45: {  	_ =	shalt  }
0x46: {  	_ =	shalt  }
0x47: {  	_ =	shalt  }
0x48: {  	_ =	shalt  }
0x49: {  	_ =	shalt  }
0x4a: {  	_ =	shalt  }
0x4b: {  	_ =	shalt  }
0x4c: {  	_ =	shalt  }
0x4d: {  	_ =	shalt  }
0x4e: {  	_ =	shalt  }
0x4f: {  	_ =	shalt  }
0x50: {  	_ =	shalt  }
0x51: {  	_ =	shalt  }
0x52: {  	_ =	shalt  }
0x53: {  	_ =	shalt  }
0x54: {  	_ =	shalt  }
0x55: {  	_ =	shalt  }
0x56: {  	_ =	shalt  }
0x57: {  	_ =	shalt  }
0x58: {  	_ =	shalt  }
0x59: {  	_ =	shalt  }
0x5a: {  	_ =	shalt  }
0x5b: {  	_ =	shalt  }
0x5c: {  	_ =	shalt  }
0x5d: {  	_ =	shalt  }
0x5e: {  	_ =	shalt  }
0x5f: {  	_ =	shalt  }
0x60: {  	_ =	shalt  }
0x61: {  	_ =	shalt  }
0x62: {  	_ =	shalt  }
0x63: {  	_ =	shalt  }
0x64: {  	_ =	shalt  }
0x65: {  	_ =	shalt  }
0x66: {  	_ =	shalt  }
0x67: {  	_ =	shalt  }
0x68: {  	_ =	shalt  }
0x69: {  	_ =	shalt  }
0x6a: {  	_ =	shalt  }
0x6b: {  	_ =	shalt  }
0x6c: {  	_ =	shalt  }
0x6d: {  	_ =	shalt  }
0x6e: {  	_ =	shalt  }
0x6f: {  	_ =	shalt  }
0x70: {  	_ =	shalt  }
0x71: {  	_ =	shalt  }
0x72: {  	_ =	shalt  }
0x73: {  	_ =	shalt  }
0x74: {  	_ =	shalt  }
0x75: {  	_ =	shalt  }
0x76: {  	_ =	shalt  }
0x77: {  	_ =	shalt  }
0x78: {  	_ =	shalt  }
0x79: {  	_ =	shalt  }
0x7a: {  	_ =	shalt  }
0x7b: {  	_ =	shalt  }
0x7c: {  	_ =	shalt  }
0x7d: {  	_ =	shalt  }
0x7e: {  	_ =	shalt  }
0x7f: {  	_ =	shalt  }
0x80: {  	_ =	shalt  }
0x81: {  	_ =	shalt  }
0x82: {  	_ =	shalt  }
0x83: {  	_ =	shalt  }
0x84: {  	_ =	shalt  }
0x85: {  	_ =	shalt  }
0x86: {  	_ =	shalt  }
0x87: {  	_ =	shalt  }
.Lfunc_end0:
.L_simem_size_0:
called_computation_lowered:
.L_overlay_start_0:
0x88: {  	s2 =	sld [smem:$0x3FD9]  }
0x89: {  	s3 =	sld [smem:$0x3FFE];
	_ =	sdelay $0x1  }
0x8a: {  	s1 =	srdreg.scid  }
0x8b: {  	s0 =	sand.u32 $0x1, s1  }
0x8c: {  	s14 =	sshll.u32 s0, $0xA;
	s2 =	sadd.s32 s3, s2  }
0x8d: {  	s2 =	sadd.s32 s2, s14  }
0x8e: {  	[smem:$0x3FC3] =	sst s2  }
0x8f: {  	_ = 	snop  }
0x90: {  	s2 =	sld [smem:$0x3FD0];
	_ =	sdelay $0x2  }
0x91: {  	s4 =	simm.s32 $0xA;
	s5 =	simm.s32 $0x10;
	s15 =	sld [smem:$0x3FC9]  }
0x92: {  	[smem:s5], [sflag:s4] =	dma.local [hbm:s2], $0x1  }
0x93: {  	_ =	swait.eq [sflag:s4], $0x1  }
0x94: {  	[sflag:s4] =	ssyncset.done $0x0  }
0x95: {  	s16 =	sld [smem:$0x10];
	[sflag:s4] =	ssyncadd.s32 $0xFFFFFFFF  }
0x96: {  	s17 =	sld [smem:$0x11];
	(tm) =	ssettm $0x1  }
0x97: {  	s18 =	sld [smem:$0x3FFB];
	_ =	sdelay $0x3  }
0x98: {  	_ =	strace s18  }
0x99: {  	s5 =	sld [smem:$0x3FFC];
	_ =	sdelay $0x3  }
0x9a: {  	_ =	strace s5  }
0x9b: {  	s5 =	sld [smem:$0x3FFD];
	_ =	sdelay $0x3  }
0x9c: {  	_ =	strace s5  }
0x9d: {  	_ =	strace $0x8FFFFFFF  }
0x9e: {  	s19 =	sld [smem:$0x3FDB];
	_ =	sdelay $0x1  }
0x9f: {  	s6 =	simm.s32 $_scs_section_size  }
0xa0: {  	s7 =	simm.s32 $_size__tile_overlayer_lowered;
	s8 =	simm.s32 $_tile_overlayer_lowered  }
0xa1: {  	s22 =	simm.s32 $0x1BFF;
	s21 =	sshll.u32 s8, $0x1;
	s5 =	sadd.s32 s6, s19  }
0xa2: {  	s9 =	simm.s32 $0x0;
	s20 =	sshll.u32 s7, $0x1;
	s7 =	sadd.s32 s21, s5  }
0xa3: {  	[timem:s9], [sflag:s22] =	dma.local [hbm:s7], s20  }
0xa4: {  	_ =	swait.ge [sflag:s22], s20  }
0xa5: {  	s6 =	ssub.s32 $0x0, s20;
	[sflag:s22] =	ssyncset.done $0x0  }
0xa6: {  	[sflag:s22] =	ssyncadd.s32 s6;
	_ =	sdelay $0x1  }
0xa7: {  	s23 =	simm.s32 $0x1B8B  }
0xa8: {  	_ =	swait.ge [sflag:s23], $0x1  }
0xa9: {  	[sflag:s23] =	ssyncset.done $0x0  }
0xaa: {  	s25 =	simm.s32 $0x1B8E;
	s24 =	sld [smem:$0x3FFE];
	[sflag:s23] =	ssyncadd.s32 $0xFFFFFFFF  }
0xab: {  	s26 =	simm.s32 $execute0_lowered;
	[smem:$0x3FD2] =	sst s25  }
0xac: {  	s7 =	sshll.u32 s26, $0x1;
	_ =	strace $0x80000046;
	[dreg:$0x1] =	wrdreg $0xFFFFFFFF  }
0xad: {  	s28 =	simm.s32 $_size_execute0_lowered;
	s5 =	sadd.s32 s5, s7;
	[dreg:$0x0] =	wrdreg $0x0  }
0xae: {  	s7 =	sshll.u32 s28, $0x1;
	[dreg:$0x2] =	wrdreg s5  }
0xaf: {  	[dreg:$0x3] =	wrdreg s7  }
0xb0: {  	[dreg:$0x4] =	wrdreg $0xC0  }
0xb1: {  	_ =	task [dreg:s9], $0x5FFFF  }
0xb2: {  	[dreg:$0x1] =	wrdreg $0xFFFFFFFF  }
0xb3: {  	[dreg:$0x0] =	wrdreg $0x60  }
0xb4: {  	[dreg:$0x2] =	wrdreg s15  }
0xb5: {  	[dreg:$0x3] =	wrdreg s24  }
0xb6: {  	[dreg:$0x4] =	wrdreg s17  }
0xb7: {  	[dreg:$0x5] =	wrdreg s16  }
0xb8: {  	[dreg:$0x6] =	wrdreg $0x9  }
0xb9: {  	_ =	task.clear_ibuf [dreg:s9], $0x7FFFF;
	_ =	strace $0x90000046  }
0xba: {  	s29 =	simm.s32 $0x9;
	_ =	strace $0x80000048  }
0xbb: {  	_ =	swait.ge [sflag:s29], $0x1  }
0xbc: {  	[sflag:s29] =	ssyncadd.s32 $0xFFFFFFFF  }
0xbd: {  	_ =	strace $0x90000048  }
0xbe: {  	_ =	sfence  }
0xbf: {  	s30 =	sld [smem:$0x0];
	_ =	sdelay $0x2  }
0xc0: {  	s31 =	sshll.u32 s1, $0xD;
	s1 =	sshrl.u32 s1, $0x2  }
0xc1: {  	s3 =	sand.u32 $0x4000, s31;
	s1 =	sadd.s32 s1, s30  }
0xc2: {  	s0 =	sor.u32 s3, s0;
	s1 =	sshll.u32 s1, $0x11  }
0xc3: {  	s0 =	sor.u32 s1, s0  }
0xc4: {  	s0 =	sadd.s32 $0x8F2B, s0  }
0xc5: {  	[sflag:s0] =	ssyncadd.remote.s32 $0x1  }
0xc6: {  	_ =	sfence.sel $0xFFFF  }
0xc7: {  	[dreg:$0x0] =	wrdreg $0xFFFFFFFF;
	(pc) =	sbr.abs _section_cstart, $3  }
0xc8: {  	[dreg:$0x1] =	wrdreg $0xFFFFFFFF  }
0xc9: {  	_ =	task.clear_ibuf [dreg:s9], $0x2FFFF;
	_ =	strace $0x9FFFFFFF  }
0xca: {  	(tm) =	ssettm $0x7FFFFFFF  }
0xcb: {  	_ =	shalt  }
tec
execute0_lowered:
.L_overlay_start_1:
0x0: {  	(tag) =	ssettag $0x1  }
0x1: {  	s0 =	rddreg [dreg:$0x0]  }
0x2: {  	s16 =	rddreg [dreg:$0x1]  }
0x3: {  	s1 =	rddreg [dreg:$0x2]  }
0x4: {  	s2 =	rddreg [dreg:$0x3];
	s17 =	srdreg.scid  }
0x5: {  	s13 =	stileid.u32;
	s20 =	simm.s32 $0x8080;
	s22 =	simm.s32 $0x880  }
0x6: {  	s24 =	simm.s32 $0x1080;
	s25 =	simm.s32 $0x1880;
	s26 =	simm.s32 $0x2080  }
0x7: {  	s30 =	simm.s32 $0x2880;
	s14 =	simm.s32 $0x80;
	s31 =	simm.s32 $0x3080  }
0x8: {  	s15 =	simm.s32 $0x8100;
	s28 =	simm.s32 $0x2;
	[dreg:$0x5] =	wrdreg s0  }
0x9: {  	s29 =	simm.s32 $0x0;
	[dreg:$0x6] =	wrdreg s2;
	s2 =	simm.s32 $0x0  }
0xa: {  	s12 =	sand.u32 $0x1, s17;
	s3 =	sshll.u32 s13, $0x9;
	[smem:$0x7FF] =	sst s2  }
0xb: {  	s6 =	sadd.s32 $0x10700, s16;
	_ =	strace $0x80000047;
	[dreg:$0x9] =	wrdreg s20  }
0xc: {  	s7 =	sadd.s32 $0x10800, s16;
	s8 =	sadd.s32 $0x10900, s16;
	[dreg:$0xa] =	wrdreg s22  }
0xd: {  	s23 =	sshll.u32 s13, $0x11;
	s13 =	simm.s32 $0x3;
	[dreg:$0xb] =	wrdreg s24  }
0xe: {  	s17 =	simm.s32 $0x4080;
	s4 =	sshll.u32 s12, $0x8;
	[dreg:$0xc] =	wrdreg s25  }
0xf: {  	s18 =	ssub.s32 $0x2, s12;
	s12 =	sshll.u32 s12, $0x10;
	[dreg:$0xd] =	wrdreg s26  }
0x10: {  	s3 =	sor.u32 s4, s3;
	s5 =	sshrl.u32 s18, $0x1;
	[dreg:$0xe] =	wrdreg s30  }
0x11: {  	s4 =	sadd.s32 $0x10500, s16;
	[dreg:$0xf] =	wrdreg s31;
	s20 =	simm.s32 $0x5880  }
0x12: {  	s22 =	simm.s32 $0x6880;
	s24 =	simm.s32 $0x7880;
	s25 =	simm.s32 $0x10  }
0x13: {  	s26 =	simm.s32 $0x1;
	s9 =	sshrl.u32 s3, $0x3;
	s3 =	sadd.s32 $0x10400, s16  }
0x14: {  	s11 =	ssub.s32 s18, s5;
	s5 =	sadd.s32 $0x10600, s16;
	s18 =	simm.s32 $0x4880  }
0x15: {  	s10 =	sadd.s32 s9, s16;
	s1 =	sadd.s32 s9, s1;
	s9 =	sadd.s32 $0x10A00, s16  }
0x16: {  	s21 =	smax.u32 s11, $0x1;
	[dreg:$0x7] =	wrdreg s1;
	s19 =	sadd.s32 $0x10000, s10  }
0x17: {  	v3 =	vlaneseq.u32;
	s10 =	sadd.s32 $0x10B00, s16;
	[dreg:$0x10] =	wrdreg s21;
	s1 =	sor.u32 s12, s23  }
0x18: {  	vm0 =	vmmov $0xffff;
	v0 =	vmul.u32 $0x80, v3;
	v2 =	vshrl.u32 v3, $0x3;
	s16 =	simm.s32 $0x3880;
	s21 =	simm.s32 $0x6080;
	[dreg:$0x8] =	wrdreg s19  }
0x19: {  	v1 =	vand.u32 $0x7, v3;
	v3 =	vor.u32 $0x8, v3;
	v2 =	vmul.u32 $0x8, v2;
	s23 =	simm.s32 $0x7080;
	[dreg:$0x11] =	wrdreg s1;
	s19 =	simm.s32 $0x5080  }
.LBB2_1:
0x1a: {  	s0 =	rddreg [dreg:$0x8]  }
0x1b: {  	s0 =	sadd.s32 $0x0, s0  }
0x1c: {  	[tilespmem:s2], [sflag:$0x3] =	stream.linear.gather [hbm4b:s0+s2], $0x10, $0x38;
	[tilespmem:$0x8900] =	vst v63  }
0x1d: {  	_ =	swait.ge [sflag:s13], $0x10  }
0x1e: {  	s31 =	rddreg [dreg:$0x11]  }
0x1f: {  	s12 =	rddreg [dreg:$0x5];
	[sflag:s13] =	ssyncset.done $0x0;
	s1 =	sand.u32 $0xFF000, s31  }
0x20: {  	[sflag:s13] =	ssyncadd.s32 $0xFFFFFFF0;
	s0 =	sadd.s32 s12, s1  }
0x21: {  	[tilespmem:s14], [sflag:$0x3] =	stream.linear.gather [hbm4b:s0+s2], $0x8000, $0x38;
	[tilespmem:$0x8900] =	vst v63  }
0x22: {  	_ =	swait.ge [sflag:s13], $0x8000  }
0x23: {  	s11 =	rddreg [dreg:$0x7];
	[sflag:s13] =	ssyncset.done $0x0  }
0x24: {  	s12 =	rddreg [dreg:$0x9];
	[sflag:s13] =	ssyncadd.s32 $0xFFFF8000;
	s0 =	sadd.s32 $0x0, s11  }
0x25: {  	[tilespmem:s12], [sflag:$0x3] =	stream.linear.gather [hbm4b:s0+s2], $0x10, $0x38;
	[tilespmem:$0x8900] =	vst v63  }
0x26: {  	_ =	swait.ge [sflag:s13], $0x10  }
0x27: {  	[sflag:s13] =	ssyncset.done $0x0  }
0x28: {  	[sflag:s13] =	ssyncadd.s32 $0xFFFFFFF0  }
0x29: {  	v4 =	vld [tilespmem:$0x8080];
	_ =	sdelay $0x4  }
0x2a: {  	[tilespmem:v0+s15+$0x0] =	vst.idx.msk $0xffff, v4  }
0x2b: {  	v4 =	vld [tilespmem:$0x0];
	_ =	sdelay $0x4  }
0x2c: {  	v5 =	vshll.u32 v4, $0x4  }
0x2d: {  	v4 =	vand.u32 $0x7, v4;
	v5 =	vand.u32 $0xFFFFFF80, v5  }
0x2e: {  	v4 =	vor.u32 v4, v5  }
0x2f: {  	v5 =	vperm.xlane v4, v1;
	_ =	sdelay $0x1  }
0x30: {  	v5 =	vadd.s32 v2, v5;
	_ =	sdelay $0x4  }
0x31: {  	[hbm4b:s3+s2] =	stream.indirect_vreg.scatter [tilespmem:s14], [sflag:$0x1], $0x80, v5, vm0, $0xb8;
	[tilespmem:$0x8900] =	vst v63  }
0x32: {  	s1 =	rddreg [dreg:$0xa]  }
0x33: {  	[hbm4b:s4+s2] =	stream.indirect_vreg.scatter [tilespmem:s1], [sflag:$0x1], $0x80, v5, vm0, $0xb8;
	[tilespmem:$0x8900] =	vst v63  }
0x34: {  	s11 =	rddreg [dreg:$0xb]  }
0x35: {  	[hbm4b:s5+s2] =	stream.indirect_vreg.scatter [tilespmem:s11], [sflag:$0x1], $0x80, v5, vm0, $0xb8;
	[tilespmem:$0x8900] =	vst v63  }
0x36: {  	s12 =	rddreg [dreg:$0xc]  }
0x37: {  	[hbm4b:s6+s2] =	stream.indirect_vreg.scatter [tilespmem:s12], [sflag:$0x1], $0x80, v5, vm0, $0xb8;
	[tilespmem:$0x8900] =	vst v63  }
0x38: {  	s11 =	rddreg [dreg:$0xd]  }
0x39: {  	[hbm4b:s7+s2] =	stream.indirect_vreg.scatter [tilespmem:s11], [sflag:$0x1], $0x80, v5, vm0, $0xb8;
	[tilespmem:$0x8900] =	vst v63  }
0x3a: {  	v4 =	vperm.xlane v4, v3;
	s12 =	rddreg [dreg:$0xe]  }
0x3b: {  	[hbm4b:s8+s2] =	stream.indirect_vreg.scatter [tilespmem:s12], [sflag:$0x1], $0x80, v5, vm0, $0xb8;
	[tilespmem:$0x8900] =	vst v63  }
0x3c: {  	v4 =	vadd.s32 v2, v4;
	s11 =	rddreg [dreg:$0xf]  }
0x3d: {  	[hbm4b:s9+s2] =	stream.indirect_vreg.scatter [tilespmem:s11], [sflag:$0x1], $0x80, v5, vm0, $0xb8;
	[tilespmem:$0x8900] =	vst v63  }
0x3e: {  	_ = 	snop  }
0x3f: {  	[hbm4b:s10+s2] =	stream.indirect_vreg.scatter [tilespmem:s16], [sflag:$0x1], $0x80, v5, vm0, $0xb8;
	[tilespmem:$0x8900] =	vst v63  }
0x40: {  	_ = 	snop  }
0x41: {  	[hbm4b:s3+s2] =	stream.indirect_vreg.scatter [tilespmem:s17], [sflag:$0x1], $0x80, v4, vm0, $0xb8;
	[tilespmem:$0x8900] =	vst v63  }
0x42: {  	_ = 	snop  }
0x43: {  	[hbm4b:s4+s2] =	stream.indirect_vreg.scatter [tilespmem:s18], [sflag:$0x1], $0x80, v4, vm0, $0xb8;
	[tilespmem:$0x8900] =	vst v63  }
0x44: {  	_ = 	snop  }
0x45: {  	[hbm4b:s5+s2] =	stream.indirect_vreg.scatter [tilespmem:s19], [sflag:$0x1], $0x80, v4, vm0, $0xb8;
	[tilespmem:$0x8900] =	vst v63  }
0x46: {  	_ = 	snop  }
0x47: {  	[hbm4b:s6+s2] =	stream.indirect_vreg.scatter [tilespmem:s20], [sflag:$0x1], $0x80, v4, vm0, $0xb8;
	[tilespmem:$0x8900] =	vst v63  }
0x48: {  	_ = 	snop  }
0x49: {  	[hbm4b:s7+s2] =	stream.indirect_vreg.scatter [tilespmem:s21], [sflag:$0x1], $0x80, v4, vm0, $0xb8;
	[tilespmem:$0x8900] =	vst v63  }
0x4a: {  	_ = 	snop  }
0x4b: {  	[hbm4b:s8+s2] =	stream.indirect_vreg.scatter [tilespmem:s22], [sflag:$0x1], $0x80, v4, vm0, $0xb8;
	[tilespmem:$0x8900] =	vst v63  }
0x4c: {  	_ = 	snop  }
0x4d: {  	[hbm4b:s9+s2] =	stream.indirect_vreg.scatter [tilespmem:s23], [sflag:$0x1], $0x80, v4, vm0, $0xb8;
	[tilespmem:$0x8900] =	vst v63  }
0x4e: {  	_ = 	snop  }
0x4f: {  	[hbm4b:s10+s2] =	stream.indirect_vreg.scatter [tilespmem:s24], [sflag:$0x1], $0x80, v4, vm0, $0xb8;
	[tilespmem:$0x8900] =	vst v63  }
0x50: {  	s12 =	rddreg [dreg:$0x6]  }
0x51: {  	[hbm4b:s12+s25] =	stream.indirect.scatter [tilespmem:s15], [sflag:$0x2], $0x80, s2, s25, $0xb8;
	[tilespmem:$0x8900] =	vst v63  }
0x52: {  	_ =	swait.ge [sflag:s26], $0x8000  }
0x53: {  	[sflag:s26] =	ssyncset.done $0x0  }
0x54: {  	[sflag:s26] =	ssyncadd.s32 $0xFFFF8000  }
0x55: {  	s30 =	simm.s32 $0x2;
	_ =	swait.ge [sflag:s28], $0x800  }
0x56: {  	s0 =	simm.s32 $0x4;
	s1 =	rddreg [dreg:$0x8];
	[sflag:s28] =	ssyncset.done $0x0  }
.LBB2_2:
0x57: {  	[sflag:s28] =	ssyncadd.s32 $0xFFFFF800;
	s1 =	sadd.s32 s30, s1  }
0x58: {  	[tilespmem:s2], [sflag:$0x3] =	stream.linear.gather [hbm4b:s1+s2], $0x10, $0x38;
	[tilespmem:$0x8900] =	vst v63  }
0x59: {  	s31 =	sadd.s32 $0x1000, s31;
	_ =	swait.ge [sflag:s13], $0x10  }
0x5a: {  	s12 =	sand.u32 $0xFF000, s31;
	s1 =	rddreg [dreg:$0x5];
	[sflag:s13] =	ssyncset.done $0x0  }
0x5b: {  	[sflag:s13] =	ssyncadd.s32 $0xFFFFFFF0;
	s1 =	sadd.s32 s1, s12  }
0x5c: {  	[tilespmem:s14], [sflag:$0x3] =	stream.linear.gather [hbm4b:s1+s2], $0x8000, $0x38;
	[tilespmem:$0x8900] =	vst v63  }
0x5d: {  	_ =	swait.ge [sflag:s13], $0x8000  }
0x5e: {  	s1 =	rddreg [dreg:$0x7];
	[sflag:s13] =	ssyncset.done $0x0  }
0x5f: {  	s12 =	rddreg [dreg:$0x9];
	[sflag:s13] =	ssyncadd.s32 $0xFFFF8000;
	s1 =	sadd.s32 s30, s1  }
0x60: {  	[tilespmem:s12], [sflag:$0x3] =	stream.linear.gather [hbm4b:s1+s2], $0x10, $0x38;
	[tilespmem:$0x8900] =	vst v63  }
0x61: {  	_ =	swait.ge [sflag:s13], $0x10  }
0x62: {  	[sflag:s13] =	ssyncset.done $0x0  }
0x63: {  	[sflag:s13] =	ssyncadd.s32 $0xFFFFFFF0  }
0x64: {  	v4 =	vld [tilespmem:$0x8080];
	_ =	sdelay $0x4  }
0x65: {  	[tilespmem:v0+s15+$0x0] =	vst.idx.msk $0xffff, v4  }
0x66: {  	v4 =	vld [tilespmem:$0x0];
	_ =	sdelay $0x4  }
0x67: {  	v5 =	vshll.u32 v4, $0x4  }
0x68: {  	v4 =	vand.u32 $0x7, v4;
	v5 =	vand.u32 $0xFFFFFF80, v5  }
0x69: {  	v4 =	vor.u32 v4, v5  }
0x6a: {  	v5 =	vperm.xlane v4, v1;
	_ =	sdelay $0x1  }
0x6b: {  	v5 =	vadd.s32 v2, v5;
	_ =	sdelay $0x3  }
0x6c: {  	s11 =	smov.u32 s0  }
0x6d: {  	[hbm4b:s3+s2] =	stream.indirect_vreg.scatter [tilespmem:s14], [sflag:$0x1], $0x80, v5, vm0, $0xb8;
	[tilespmem:$0x8900] =	vst v63  }
0x6e: {  	s30 =	smov.u32 s11;
	s11 =	rddreg [dreg:$0xa]  }
0x6f: {  	[hbm4b:s4+s2] =	stream.indirect_vreg.scatter [tilespmem:s11], [sflag:$0x1], $0x80, v5, vm0, $0xb8;
	[tilespmem:$0x8900] =	vst v63  }
0x70: {  	s12 =	rddreg [dreg:$0xb]  }
0x71: {  	[hbm4b:s5+s2] =	stream.indirect_vreg.scatter [tilespmem:s12], [sflag:$0x1], $0x80, v5, vm0, $0xb8;
	[tilespmem:$0x8900] =	vst v63  }
0x72: {  	s1 =	rddreg [dreg:$0xc]  }
0x73: {  	[hbm4b:s6+s2] =	stream.indirect_vreg.scatter [tilespmem:s1], [sflag:$0x1], $0x80, v5, vm0, $0xb8;
	[tilespmem:$0x8900] =	vst v63  }
0x74: {  	s12 =	rddreg [dreg:$0xd]  }
0x75: {  	[hbm4b:s7+s2] =	stream.indirect_vreg.scatter [tilespmem:s12], [sflag:$0x1], $0x80, v5, vm0, $0xb8;
	[tilespmem:$0x8900] =	vst v63  }
0x76: {  	v4 =	vperm.xlane v4, v3;
	s1 =	rddreg [dreg:$0xe]  }
0x77: {  	[hbm4b:s8+s2] =	stream.indirect_vreg.scatter [tilespmem:s1], [sflag:$0x1], $0x80, v5, vm0, $0xb8;
	[tilespmem:$0x8900] =	vst v63  }
0x78: {  	v4 =	vadd.s32 v2, v4;
	s12 =	rddreg [dreg:$0xf]  }
0x79: {  	[hbm4b:s9+s2] =	stream.indirect_vreg.scatter [tilespmem:s12], [sflag:$0x1], $0x80, v5, vm0, $0xb8;
	[tilespmem:$0x8900] =	vst v63  }
0x7a: {  	_ = 	snop  }
0x7b: {  	[hbm4b:s10+s2] =	stream.indirect_vreg.scatter [tilespmem:s16], [sflag:$0x1], $0x80, v5, vm0, $0xb8;
	[tilespmem:$0x8900] =	vst v63  }
0x7c: {  	_ = 	snop  }
0x7d: {  	[hbm4b:s3+s2] =	stream.indirect_vreg.scatter [tilespmem:s17], [sflag:$0x1], $0x80, v4, vm0, $0xb8;
	[tilespmem:$0x8900] =	vst v63  }
0x7e: {  	_ = 	snop  }
0x7f: {  	[hbm4b:s4+s2] =	stream.indirect_vreg.scatter [tilespmem:s18], [sflag:$0x1], $0x80, v4, vm0, $0xb8;
	[tilespmem:$0x8900] =	vst v63  }
0x80: {  	_ = 	snop  }
0x81: {  	[hbm4b:s5+s2] =	stream.indirect_vreg.scatter [tilespmem:s19], [sflag:$0x1], $0x80, v4, vm0, $0xb8;
	[tilespmem:$0x8900] =	vst v63  }
0x82: {  	_ = 	snop  }
0x83: {  	[hbm4b:s6+s2] =	stream.indirect_vreg.scatter [tilespmem:s20], [sflag:$0x1], $0x80, v4, vm0, $0xb8;
	[tilespmem:$0x8900] =	vst v63  }
0x84: {  	_ = 	snop  }
0x85: {  	[hbm4b:s7+s2] =	stream.indirect_vreg.scatter [tilespmem:s21], [sflag:$0x1], $0x80, v4, vm0, $0xb8;
	[tilespmem:$0x8900] =	vst v63  }
0x86: {  	_ = 	snop  }
0x87: {  	[hbm4b:s8+s2] =	stream.indirect_vreg.scatter [tilespmem:s22], [sflag:$0x1], $0x80, v4, vm0, $0xb8;
	[tilespmem:$0x8900] =	vst v63  }
0x88: {  	_ = 	snop  }
0x89: {  	[hbm4b:s9+s2] =	stream.indirect_vreg.scatter [tilespmem:s23], [sflag:$0x1], $0x80, v4, vm0, $0xb8;
	[tilespmem:$0x8900] =	vst v63  }
0x8a: {  	_ = 	snop  }
0x8b: {  	[hbm4b:s10+s2] =	stream.indirect_vreg.scatter [tilespmem:s24], [sflag:$0x1], $0x80, v4, vm0, $0xb8;
	[tilespmem:$0x8900] =	vst v63  }
0x8c: {  	p0 =	sne.s32 s0, $0x1E;
	s12 =	rddreg [dreg:$0x6]  }
0x8d: {  	[hbm4b:s12+s25] =	stream.indirect.scatter [tilespmem:s15], [sflag:$0x2], $0x80, s2, s25, $0xb8;
	[tilespmem:$0x8900] =	vst v63  }
.Ltmp0:
0x8e: {  	_ =	swait.ge [sflag:s26], $0x8000;
	(pc) =	sbr.rel @p0 .LBB2_2-.Ltmp0, $4  }
0x8f: {  	[sflag:s26] =	ssyncset.done $0x0  }
0x90: {  	[sflag:s26] =	ssyncadd.s32 $0xFFFF8000  }
0x91: {  	_ =	swait.ge [sflag:s28], $0x800  }
0x92: {  	s0 =	sadd.s32 $0x2, s0;
	s1 =	rddreg [dreg:$0x8];
	[sflag:s28] =	ssyncset.done $0x0  }
0x93: {  	[sflag:s28] =	ssyncadd.s32 $0xFFFFF800;
	s0 =	sadd.s32 s30, s1  }
0x94: {  	[tilespmem:s2], [sflag:$0x3] =	stream.linear.gather [hbm4b:s0+s2], $0x10, $0x38;
	[tilespmem:$0x8900] =	vst v63  }
0x95: {  	s11 =	sadd.s32 $0x1000, s31;
	_ =	swait.ge [sflag:s13], $0x10  }
0x96: {  	s1 =	sand.u32 $0xFF000, s11;
	s12 =	rddreg [dreg:$0x5];
	[sflag:s13] =	ssyncset.done $0x0  }
0x97: {  	[sflag:s13] =	ssyncadd.s32 $0xFFFFFFF0;
	s0 =	sadd.s32 s12, s1  }
0x98: {  	[tilespmem:s14], [sflag:$0x3] =	stream.linear.gather [hbm4b:s0+s2], $0x8000, $0x38;
	[tilespmem:$0x8900] =	vst v63  }
0x99: {  	_ =	swait.ge [sflag:s13], $0x8000  }
0x9a: {  	s12 =	rddreg [dreg:$0x7];
	[sflag:s13] =	ssyncset.done $0x0  }
0x9b: {  	s31 =	rddreg [dreg:$0x9];
	s0 =	sadd.s32 s30, s12;
	[sflag:s13] =	ssyncadd.s32 $0xFFFF8000  }
0x9c: {  	[tilespmem:s31], [sflag:$0x3] =	stream.linear.gather [hbm4b:s0+s2], $0x10, $0x38;
	[tilespmem:$0x8900] =	vst v63  }
0x9d: {  	_ =	swait.ge [sflag:s13], $0x10  }
0x9e: {  	[sflag:s13] =	ssyncset.done $0x0  }
0x9f: {  	[sflag:s13] =	ssyncadd.s32 $0xFFFFFFF0  }
0xa0: {  	v4 =	vld [tilespmem:$0x8080];
	_ =	sdelay $0x4  }
0xa1: {  	[tilespmem:v0+s15+$0x0] =	vst.idx.msk $0xffff, v4  }
0xa2: {  	v4 =	vld [tilespmem:$0x0];
	_ =	sdelay $0x4  }
0xa3: {  	v5 =	vshll.u32 v4, $0x4  }
0xa4: {  	v4 =	vand.u32 $0x7, v4;
	v5 =	vand.u32 $0xFFFFFF80, v5  }
0xa5: {  	v4 =	vor.u32 v4, v5  }
0xa6: {  	v5 =	vperm.xlane v4, v1;
	_ =	sdelay $0x1  }
0xa7: {  	v5 =	vadd.s32 v2, v5;
	_ =	sdelay $0x4  }
0xa8: {  	[hbm4b:s3+s2] =	stream.indirect_vreg.scatter [tilespmem:s14], [sflag:$0x1], $0x80, v5, vm0, $0xb8;
	[tilespmem:$0x8900] =	vst v63  }
0xa9: {  	s11 =	rddreg [dreg:$0xa]  }
0xaa: {  	[hbm4b:s4+s2] =	stream.indirect_vreg.scatter [tilespmem:s11], [sflag:$0x1], $0x80, v5, vm0, $0xb8;
	[tilespmem:$0x8900] =	vst v63  }
0xab: {  	s12 =	rddreg [dreg:$0xb]  }
0xac: {  	[hbm4b:s5+s2] =	stream.indirect_vreg.scatter [tilespmem:s12], [sflag:$0x1], $0x80, v5, vm0, $0xb8;
	[tilespmem:$0x8900] =	vst v63  }
0xad: {  	s30 =	rddreg [dreg:$0xc]  }
0xae: {  	[hbm4b:s6+s2] =	stream.indirect_vreg.scatter [tilespmem:s30], [sflag:$0x1], $0x80, v5, vm0, $0xb8;
	[tilespmem:$0x8900] =	vst v63  }
0xaf: {  	s31 =	rddreg [dreg:$0xd]  }
0xb0: {  	[hbm4b:s7+s2] =	stream.indirect_vreg.scatter [tilespmem:s31], [sflag:$0x1], $0x80, v5, vm0, $0xb8;
	[tilespmem:$0x8900] =	vst v63  }
0xb1: {  	v4 =	vperm.xlane v4, v3;
	s11 =	rddreg [dreg:$0xe]  }
0xb2: {  	[hbm4b:s8+s2] =	stream.indirect_vreg.scatter [tilespmem:s11], [sflag:$0x1], $0x80, v5, vm0, $0xb8;
	[tilespmem:$0x8900] =	vst v63  }
0xb3: {  	v4 =	vadd.s32 v2, v4;
	s12 =	rddreg [dreg:$0xf]  }
0xb4: {  	[hbm4b:s9+s2] =	stream.indirect_vreg.scatter [tilespmem:s12], [sflag:$0x1], $0x80, v5, vm0, $0xb8;
	[tilespmem:$0x8900] =	vst v63  }
0xb5: {  	_ = 	snop  }
0xb6: {  	[hbm4b:s10+s2] =	stream.indirect_vreg.scatter [tilespmem:s16], [sflag:$0x1], $0x80, v5, vm0, $0xb8;
	[tilespmem:$0x8900] =	vst v63  }
0xb7: {  	_ = 	snop  }
0xb8: {  	[hbm4b:s3+s2] =	stream.indirect_vreg.scatter [tilespmem:s17], [sflag:$0x1], $0x80, v4, vm0, $0xb8;
	[tilespmem:$0x8900] =	vst v63  }
0xb9: {  	_ = 	snop  }
0xba: {  	[hbm4b:s4+s2] =	stream.indirect_vreg.scatter [tilespmem:s18], [sflag:$0x1], $0x80, v4, vm0, $0xb8;
	[tilespmem:$0x8900] =	vst v63  }
0xbb: {  	_ = 	snop  }
0xbc: {  	[hbm4b:s5+s2] =	stream.indirect_vreg.scatter [tilespmem:s19], [sflag:$0x1], $0x80, v4, vm0, $0xb8;
	[tilespmem:$0x8900] =	vst v63  }
0xbd: {  	_ = 	snop  }
0xbe: {  	[hbm4b:s6+s2] =	stream.indirect_vreg.scatter [tilespmem:s20], [sflag:$0x1], $0x80, v4, vm0, $0xb8;
	[tilespmem:$0x8900] =	vst v63  }
0xbf: {  	_ = 	snop  }
0xc0: {  	[hbm4b:s7+s2] =	stream.indirect_vreg.scatter [tilespmem:s21], [sflag:$0x1], $0x80, v4, vm0, $0xb8;
	[tilespmem:$0x8900] =	vst v63  }
0xc1: {  	_ = 	snop  }
0xc2: {  	[hbm4b:s8+s2] =	stream.indirect_vreg.scatter [tilespmem:s22], [sflag:$0x1], $0x80, v4, vm0, $0xb8;
	[tilespmem:$0x8900] =	vst v63  }
0xc3: {  	_ = 	snop  }
0xc4: {  	[hbm4b:s9+s2] =	stream.indirect_vreg.scatter [tilespmem:s23], [sflag:$0x1], $0x80, v4, vm0, $0xb8;
	[tilespmem:$0x8900] =	vst v63  }
0xc5: {  	_ = 	snop  }
0xc6: {  	[hbm4b:s10+s2] =	stream.indirect_vreg.scatter [tilespmem:s24], [sflag:$0x1], $0x80, v4, vm0, $0xb8;
	[tilespmem:$0x8900] =	vst v63  }
0xc7: {  	s30 =	rddreg [dreg:$0x6]  }
0xc8: {  	[hbm4b:s30+s25] =	stream.indirect.scatter [tilespmem:s15], [sflag:$0x2], $0x80, s2, s25, $0xb8;
	[tilespmem:$0x8900] =	vst v63  }
0xc9: {  	_ =	swait.ge [sflag:s26], $0x8000  }
0xca: {  	[sflag:s26] =	ssyncset.done $0x0  }
0xcb: {  	[sflag:s26] =	ssyncadd.s32 $0xFFFF8000  }
0xcc: {  	_ =	swait.ge [sflag:s28], $0x800  }
0xcd: {  	s29 =	sadd.s32 $0x1, s29;
	s31 =	rddreg [dreg:$0x10]  }
0xce: {  	p0 =	sne.s32 s29, s31  }
.Ltmp1:
0xcf: {  	_ = 	snop;
	(pc) =	sbr.rel @p0 .LBB2_1-.Ltmp1, $3  }
0xd0: {  	_ =	sdelay $0x1  }
0xd1: {  	[sflag:s28] =	ssyncset.done $0x0  }
0xd2: {  	[sflag:s28] =	ssyncadd.s32 $0xFFFFF800  }
0xd3: {  	_ =	sfence.sel $0x180000  }
0xd4: {  	[bflag:$0x0] =	sbarrier.arrive $0xFFFF  }
0xd5: {  	_ =	strace $0x90000047  }
0xd6: {  	s0 =	stileid.u32;
	[bflag:$0x2] =	sbarrier.arrive $0xFFFF  }
0xd7: {  	p0 =	sne.s32 s0, $0x0;
	s0 =	rddreg [dreg:$0x4]  }
0xd8: {  	s0 =	sadd.s32 @!p0 $0x100000, s0  }
0xd9: {  	[sflag:s0] =	ssyncadd.tile.s32 @!p0 $0x1;
	_ =	shalt  }
.Lfunc_end2:
_tile_overlayer_lowered:
.L_overlay_start_2:
0xda: {  	(tag) =	ssettag $0x2  }
0xdb: {  	s0 =	rddreg [dreg:$0x0];
	s2 =	stileid.u32  }
0xdc: {  	s1 =	rddreg [dreg:$0x1];
	p0 =	sne.s32 s2, $0x0  }
0xdd: {  	s3 =	rddreg [dreg:$0x2];
	[bflag:$0x3] =	sbarrier.arrive $0xFFFF;
	s2 =	simm.s32 @!p0 $0x1C03  }
0xde: {  	[timem:s3], [sflag:s2] =	dma.local @!p0 [hbm:s0], s1  }
0xdf: {  	s0 =	simm.s32 @!p0 $0x3  }
0xe0: {  	_ =	swait.ge @!p0 [sflag:s0], s1  }
0xe1: {  	s1 =	ssub.s32 @!p0 $0x0, s1;
	[sflag:s0] =	ssyncset.done @!p0 $0x0  }
0xe2: {  	[sflag:s0] =	ssyncadd.s32 @!p0 s1  }
0xe3: {  	[bflag:$0x3] =	sbarrier.arrive $0xFFFF  }
0xe4: {  	_ =	shalt  }

</sc_bundles>
